<compile_context>
chip_gen: v7x
topology: tpu7x:2x2x1
jax: 0.10.2.dev20260603
libtpu: 0.0.44.dev20260713+nightly
codegen_flags: <defaults>
</compile_context>

<pallas_src>
import functools

import jax
import jax.numpy as jnp
import numpy as np
from jax import lax
from jax.experimental import pallas as pl
from jax.experimental.pallas import tpu as pltpu
from jax.experimental.pallas import tpu_sc as plsc

N = 10000
DEG = 16
D = 256
HID = 256
H = 8
DH = HID // H
HOP = 3
TOPK = 8
ALPHA = 0.15
NEG = 0.2
NCLS = 40

BN = 256
NPAD = 10240
NBLK = NPAD // BN

NC = 2
NS = 16
NW = NC * NS
CHUNK = 128
NCH = -(-N * DEG // (NW * CHUNK))
EPAD = NW * NCH * CHUNK

ISQ = float(1.0 / np.sqrt(DH))
HI16 = np.int32(-65536)


def _pack2(a, b):
    ai = lax.bitcast_convert_type(
        a.astype(jnp.bfloat16).astype(jnp.float32), jnp.int32)
    bi = lax.bitcast_convert_type(
        b.astype(jnp.bfloat16).astype(jnp.float32), jnp.int32)
    return ai | lax.shift_right_logical(bi, 16)


def _hi(word):
    return lax.bitcast_convert_type(word & HI16, jnp.float32)


def _lo(word):
    return lax.bitcast_convert_type(lax.shift_left(word, 16), jnp.float32)


@functools.partial(jax.jit, static_argnames=("dt",))
def _sc_gather(table, idx3, dt):
    mesh = plsc.VectorSubcoreMesh(core_axis_name="c", subcore_axis_name="s")
    rows = 16384 // dt
    ncht = NCH * CHUNK // rows
    idx2 = idx3.reshape(NW, ncht, rows)

    @functools.partial(
        pl.kernel,
        out_type=jax.ShapeDtypeStruct((EPAD, dt), jnp.int32),
        mesh=mesh,
        scratch_types=[
            pltpu.VMEM((ncht, rows), jnp.int32),
            [pltpu.VMEM((rows, dt), jnp.int32)] * 5,
            [pltpu.SemaphoreType.DMA] * 5,
            [pltpu.SemaphoreType.DMA] * 5,
        ],
    )
    def k(table_hbm, idx_hbm, out_hbm, idx_v, bufs, gs, osd):
        wid = lax.axis_index("s") * NC + lax.axis_index("c")
        pltpu.sync_copy(idx_hbm.at[wid], idx_v)
        base = wid * (ncht * rows)

        for s in range(3):
            pltpu.async_copy(table_hbm.at[idx_v.at[s]], bufs[s], gs[s])

        def body(i, carry):
            for s in range(5):
                c = 5 * i + s
                pltpu.make_async_copy(
                    table_hbm.at[idx_v.at[c]], bufs[s], gs[s]).wait()
                pltpu.async_copy(
                    bufs[s], out_hbm.at[pl.ds(base + c * rows, rows)], osd[s])
                t = c + 3
                st = (s + 3) % 5

                @pl.when(t < ncht)
                def _issue():
                    @pl.when(t >= 5)
                    def _drain():
                        pltpu.make_async_copy(
                            bufs[st],
                            out_hbm.at[pl.ds(base + (t - 5) * rows, rows)],
                            osd[st]).wait()

                    pltpu.async_copy(
                        table_hbm.at[idx_v.at[t]], bufs[st], gs[st])
            return carry

        lax.fori_loop(0, ncht // 5, body, 0)
        for s in range(5):
            c = ncht - 5 + s
            pltpu.make_async_copy(
                bufs[s % 5], out_hbm.at[pl.ds(base + c * rows, rows)],
                osd[s % 5]).wait()

    return k(table, idx2)


def _pad_idx(idx_flat):
    idx_p = jnp.zeros((EPAD,), jnp.int32).at[: idx_flat.shape[0]].set(idx_flat)
    return idx_p.reshape(NW, NCH, CHUNK)


def _mm_kernel(x_ref, w_ref, o_ref):
    o_ref[...] = jnp.dot(x_ref[...], w_ref[...],
                         preferred_element_type=jnp.float32)


def _mm(x, w, block_m=512):
    m, k = x.shape
    _, n = w.shape
    return pl.pallas_call(
        _mm_kernel,
        grid=(m // block_m,),
        in_specs=[
            pl.BlockSpec((block_m, k), lambda i: (i, 0)),
            pl.BlockSpec((k, n), lambda i: (0, 0)),
        ],
        out_specs=pl.BlockSpec((block_m, n), lambda i: (i, 0)),
        out_shape=jax.ShapeDtypeStruct((m, n), jnp.float32),
    )(x, w)


def _mm_kv_kernel(x_ref, w_ref, o_ref):
    y = jnp.dot(x_ref[...], w_ref[...], preferred_element_type=jnp.float32)
    k = lax.slice(y, (0, 0), (y.shape[0], HID))
    v = lax.slice(y, (0, HID), (y.shape[0], 2 * HID))
    o_ref[...] = _pack2(k, v)


def _mm_kv(x, w, block_m=512):
    m, k = x.shape
    return pl.pallas_call(
        _mm_kv_kernel,
        grid=(m // block_m,),
        in_specs=[
            pl.BlockSpec((block_m, k), lambda i: (i, 0)),
            pl.BlockSpec((k, 2 * HID), lambda i: (0, 0)),
        ],
        out_specs=pl.BlockSpec((block_m, HID), lambda i: (i, 0)),
        out_shape=jax.ShapeDtypeStruct((m, HID), jnp.int32),
    )(x, w)


def _elu_res(word, w_ref, r_ref):
    x = jnp.concatenate([_hi(word), _lo(word)], axis=-1)
    y = jnp.dot(x, w_ref[...], preferred_element_type=jnp.float32)
    y = jnp.where(y > 0, y, jnp.exp(jnp.minimum(y, 0.0)) - 1.0)
    return y + r_ref[...]


def _mm_out_kv_kernel(x_ref, wo_ref, r_ref, wkv_ref, h_ref, kv_ref):
    h = _elu_res(x_ref[...], wo_ref, r_ref)
    h_ref[...] = h
    y = jnp.dot(h, wkv_ref[...], preferred_element_type=jnp.float32)
    kv_ref[...] = _pack2(lax.slice(y, (0, 0), (y.shape[0], HID)),
                         lax.slice(y, (0, HID), (y.shape[0], 2 * HID)))


def _mm_out_kv(x, wo, res, wkv, block_m=512):
    m = x.shape[0]
    return pl.pallas_call(
        _mm_out_kv_kernel,
        grid=(m // block_m,),
        in_specs=[
            pl.BlockSpec((block_m, HID // 2), lambda i: (i, 0)),
            pl.BlockSpec((HID, HID), lambda i: (0, 0)),
            pl.BlockSpec((block_m, HID), lambda i: (i, 0)),
            pl.BlockSpec((HID, 2 * HID), lambda i: (0, 0)),
        ],
        out_specs=[
            pl.BlockSpec((block_m, HID), lambda i: (i, 0)),
            pl.BlockSpec((block_m, HID), lambda i: (i, 0)),
        ],
        out_shape=[
            jax.ShapeDtypeStruct((m, HID), jnp.float32),
            jax.ShapeDtypeStruct((m, HID), jnp.int32),
        ],
    )(x, wo, res, wkv)


def _mm_out_cls_kernel(x_ref, wo_ref, r_ref, wc_ref, b_ref, o_ref):
    h = _elu_res(x_ref[...], wo_ref, r_ref)
    o_ref[...] = (jnp.dot(h, wc_ref[...], preferred_element_type=jnp.float32)
                  + b_ref[...])


def _mm_out_cls(x, wo, res, wc, b, block_m=512):
    m = x.shape[0]
    n = wc.shape[1]
    return pl.pallas_call(
        _mm_out_cls_kernel,
        grid=(m // block_m,),
        in_specs=[
            pl.BlockSpec((block_m, HID // 2), lambda i: (i, 0)),
            pl.BlockSpec((HID, HID), lambda i: (0, 0)),
            pl.BlockSpec((block_m, HID), lambda i: (i, 0)),
            pl.BlockSpec((HID, n), lambda i: (0, 0)),
            pl.BlockSpec((1, n), lambda i: (0, 0)),
        ],
        out_specs=pl.BlockSpec((block_m, n), lambda i: (i, 0)),
        out_shape=jax.ShapeDtypeStruct((m, n), jnp.float32),
    )(x, wo, res, wc, b.reshape(1, n))


EW = BN * DEG


def _gshift(x, r):
    lm = lax.broadcasted_iota(jnp.int32, x.shape, 1) % DEG
    a = jnp.concatenate([x[:, r:], x[:, :r]], axis=1)
    b = jnp.concatenate([x[:, -(DEG - r):], x[:, : -(DEG - r)]], axis=1)
    return jnp.where(lm < DEG - r, a, b)


def _pack_cur(cur):
    return _pack2(lax.slice(cur, (0, 0), (BN, HID // 2)),
                  lax.slice(cur, (0, HID // 2), (BN, HID)))


def _combine(attn_t, nb, kv_ref):
    hh2 = lax.broadcasted_iota(jnp.int32, (H, HID), 0)
    hd2 = lax.broadcasted_iota(jnp.int32, (H, HID), 1) // DH
    exp_m = (hh2 == hd2).astype(jnp.float32)
    attn_e = lax.dot_general(attn_t, exp_m, (((0,), (0,)), ((), ())),
                             preferred_element_type=jnp.float32)
    w = nb * attn_e
    agg = jnp.sum(w.reshape(BN, DEG, HID), axis=1)
    v = _lo(kv_ref[...])
    return _pack_cur((1.0 - ALPHA) * agg + ALPHA * v)


def _attn_hop1_kernel(h_ref, wq_ref, kvn_ref, kv_ref, attn_ref, cur_ref):
    q = jnp.dot(h_ref[...], wq_ref[...], preferred_element_type=jnp.float32)
    word = kvn_ref[...]
    kn = _hi(word)
    qb = jnp.broadcast_to(q.reshape(BN, 1, HID), (BN, DEG, HID))
    prod = kn * qb.reshape(EW, HID)
    hd = lax.broadcasted_iota(jnp.int32, (HID, H), 0) // DH
    hh = lax.broadcasted_iota(jnp.int32, (HID, H), 1)
    seg = (hd == hh).astype(jnp.float32)
    st = lax.dot_general(seg, prod, (((0,), (1,)), ((), ())),
                         preferred_element_type=jnp.float32) * ISQ
    st = jnp.where(st > 0, st, NEG * st)
    lm = lax.broadcasted_iota(jnp.int32, (H, EW), 1) % DEG
    rank = jnp.zeros((H, EW), jnp.float32)
    for r in range(1, DEG):
        y = _gshift(st, r)
        rank = rank + (y > st).astype(jnp.float32)
        rank = rank + ((y == st) & (lm >= DEG - r)).astype(jnp.float32)
    sel = (rank < TOPK).astype(jnp.float32)
    mx = st
    for r in (8, 4, 2, 1):
        mx = jnp.maximum(mx, _gshift(mx, r))
    e = jnp.exp(st - mx) * sel
    dn = e
    for r in (8, 4, 2, 1):
        dn = dn + _gshift(dn, r)
    attn_t = e / dn
    attn_ref[...] = attn_t
    cur_ref[...] = _combine(attn_t, _lo(word), kv_ref)


def _attn_hop1(h, wq, kvn, kv):
    return pl.pallas_call(
        _attn_hop1_kernel,
        grid=(NBLK,),
        in_specs=[
            pl.BlockSpec((BN, HID), lambda i: (i, 0)),
            pl.BlockSpec((HID, HID), lambda i: (0, 0)),
            pl.BlockSpec((EW, HID), lambda i: (i, 0)),
            pl.BlockSpec((BN, HID), lambda i: (i, 0)),
        ],
        out_specs=[
            pl.BlockSpec((H, EW), lambda i: (0, i)),
            pl.BlockSpec((BN, HID // 2), lambda i: (i, 0)),
        ],
        out_shape=[
            jax.ShapeDtypeStruct((H, NBLK * EW), jnp.float32),
            jax.ShapeDtypeStruct((NPAD, HID // 2), jnp.int32),
        ],
    )(h, wq, kvn, kv)


def _hop_kernel(nb_ref, attn_ref, kv_ref, o_ref):
    word = nb_ref[...]
    nb = jnp.concatenate([_hi(word), _lo(word)], axis=-1)
    o_ref[...] = _combine(attn_ref[...], nb, kv_ref)


def _hop(nb, attn, kv):
    return pl.pallas_call(
        _hop_kernel,
        grid=(NBLK,),
        in_specs=[
            pl.BlockSpec((EW, HID // 2), lambda i: (i, 0)),
            pl.BlockSpec((H, EW), lambda i: (0, i)),
            pl.BlockSpec((BN, HID), lambda i: (i, 0)),
        ],
        out_specs=pl.BlockSpec((BN, HID // 2), lambda i: (i, 0)),
        out_shape=jax.ShapeDtypeStruct((NPAD, HID // 2), jnp.int32),
    )(nb, attn, kv)


def _sparse_part(h, kv, idx3, Wq):
    kvn = _sc_gather(kv, idx3, HID)
    attn, cur = _attn_hop1(h, Wq, kvn, kv)
    for _ in range(HOP - 1):
        nb = _sc_gather(cur, idx3, HID // 2)
        cur = _hop(nb, attn, kv)
    return cur


def kernel(inputs, edge_index, Wq0, Wk0, Wv0, Wo0, Wq1, Wk1, Wv1, Wo1, Wc, bc):
    idx3 = _pad_idx(edge_index[0])
    hp = jnp.zeros((NPAD, D), jnp.float32).at[:N].set(inputs)
    kv1 = _mm_kv(hp, jnp.concatenate([Wk0, Wv0], axis=1))
    cur1 = _sparse_part(hp, kv1, idx3, Wq0)
    h2, kv2 = _mm_out_kv(cur1, Wo0, hp, jnp.concatenate([Wk1, Wv1], axis=1))
    cur2 = _sparse_part(h2, kv2, idx3, Wq1)
    logits = _mm_out_cls(cur2, Wo1, h2, Wc, bc)[:N]
    return logits

# --- scband reference (transcript-rebuilt; emitter-appended) ---
"""Pipeline reference for scband-gdtsampler-56453050138912 (READ-ONLY COPY).

The authoritative reference and input builder live on the scoring server;
editing this copy changes nothing except your own understanding.
"""

import jax, jax.numpy as jnp
import numpy as np

N = 10000
DEG = 16
D = 256
HID = 256
H = 8
DH = HID // H
HOP = 3
TOPK = 8
ALPHA = 0.15
NEG = 0.2
NCLS = 40


def _xavier(k, shape):
    fan_in, fan_out = shape
    std = float(np.sqrt(2.0 / (fan_in + fan_out)))
    return jax.random.normal(k, shape, jnp.float32) * std


def setup_inputs(seed: int = 0) -> dict:
    key = jax.random.key(seed)
    ks = jax.random.split(key, 14)
    inputs = jax.random.normal(ks[0], (N, D), jnp.float32)
    # regular graph: each dst node has exactly DEG incoming edges
    src = jax.random.randint(ks[1], (N * DEG,), 0, N, jnp.int32)
    dst = jnp.repeat(jnp.arange(N, dtype=jnp.int32), DEG)
    edge_index = jnp.stack([src, dst], axis=0)
    return {
        'inputs': inputs,
        'edge_index': edge_index,
        'Wq0': _xavier(ks[2], (D, HID)),
        'Wk0': _xavier(ks[3], (D, HID)),
        'Wv0': _xavier(ks[4], (D, HID)),
        'Wo0': _xavier(ks[5], (HID, HID)),
        'Wq1': _xavier(ks[6], (HID, HID)),
        'Wk1': _xavier(ks[7], (HID, HID)),
        'Wv1': _xavier(ks[8], (HID, HID)),
        'Wo1': _xavier(ks[9], (HID, HID)),
        'Wc': _xavier(ks[10], (HID, NCLS)),
        'bc': jnp.zeros((NCLS,), jnp.float32),
    }


def _gdt_layer(h, src_grid, Wq, Wk, Wv, Wo):
    # multi-head dot-product attention over incoming edges with per-node
    # local top-k masking, followed by hop_num steps of APPNP-style
    # attention diffusion (gtransformerlayer)
    q = (h @ Wq).reshape(N, H, DH)
    k = (h @ Wk).reshape(N, H, DH)
    v = (h @ Wv).reshape(N, H, DH)
    k_n = k[src_grid]  # gather: [N, DEG, H, DH]
    scores = jnp.einsum('nhd,nmhd->nhm', q, k_n) / np.sqrt(DH)  # [N, H, DEG]
    scores = jax.nn.leaky_relu(scores, NEG)
    topv, topi = jax.lax.top_k(scores, TOPK)  # [N, H, TOPK]
    attn = jax.nn.softmax(topv, axis=-1)
    src_b = jnp.broadcast_to(src_grid[:, None, :], (N, H, DEG))
    src_sel = jnp.take_along_axis(src_b, topi, axis=2)  # [N, H, TOPK]
    head_idx = jnp.arange(H)[None, :, None]
    h0 = v
    cur = v
    for _ in range(HOP):
        nb = cur[src_sel, head_idx]  # gather: [N, H, TOPK, DH]
        agg = jnp.einsum('nhk,nhkd->nhd', attn, nb)
        cur = (1.0 - ALPHA) * agg + ALPHA * h0
    out = cur.reshape(N, HID) @ Wo
    out = jax.nn.elu(out)
    if h.shape[1] == HID:
        out = out + h  # residual
    return out


def reference(inputs, edge_index, Wq0, Wk0, Wv0, Wo0, Wq1, Wk1, Wv1, Wo1, Wc, bc):
    src_grid = edge_index[0].reshape(N, DEG)
    h = _gdt_layer(inputs, src_grid, Wq0, Wk0, Wv0, Wo0)
    h = _gdt_layer(h, src_grid, Wq1, Wk1, Wv1, Wo1)
    logits = h @ Wc + bc
    return logits

if __name__ == "__main__":
    import jax
    _d = setup_inputs()
    print(jax.jit(kernel)(*tuple(_d.values())))

</pallas_src>

<mosaic_0001>
#map = affine_map<(d0, d1) -> (0, 0)>
#map1 = affine_map<(d0, d1) -> (0, 0, 0)>
module attributes {stable_mosaic.version = 14 : i64} {
  func.func @k(%arg0: i32, %arg1: i32, %arg2: memref<10240x256xi32, #tpu.memory_space<hbm>>, %arg3: memref<32x80x64xi32, #tpu.memory_space<hbm>>, %arg4: memref<163840x256xi32, #tpu.memory_space<hbm>>, %arg5: memref<80x64xi32, #tpu.memory_space<vmem>>, %arg6: memref<64x256xi32, #tpu.memory_space<vmem>>, %arg7: memref<64x256xi32, #tpu.memory_space<vmem>>, %arg8: memref<64x256xi32, #tpu.memory_space<vmem>>, %arg9: memref<64x256xi32, #tpu.memory_space<vmem>>, %arg10: memref<64x256xi32, #tpu.memory_space<vmem>>, %arg11: memref<!tpu.dma_semaphore, #tpu.memory_space<semaphore_mem>>, %arg12: memref<!tpu.dma_semaphore, #tpu.memory_space<semaphore_mem>>, %arg13: memref<!tpu.dma_semaphore, #tpu.memory_space<semaphore_mem>>, %arg14: memref<!tpu.dma_semaphore, #tpu.memory_space<semaphore_mem>>, %arg15: memref<!tpu.dma_semaphore, #tpu.memory_space<semaphore_mem>>, %arg16: memref<!tpu.dma_semaphore, #tpu.memory_space<semaphore_mem>>, %arg17: memref<!tpu.dma_semaphore, #tpu.memory_space<semaphore_mem>>, %arg18: memref<!tpu.dma_semaphore, #tpu.memory_space<semaphore_mem>>, %arg19: memref<!tpu.dma_semaphore, #tpu.memory_space<semaphore_mem>>, %arg20: memref<!tpu.dma_semaphore, #tpu.memory_space<semaphore_mem>>) attributes {dimension_semantics = [#tpu.dimension_semantics<core_parallel>, #tpu.dimension_semantics<subcore_parallel>], iteration_bounds = array<i64: 2, 16>, scalar_prefetch = 0 : i64, scratch_operands = 16 : i64, tpu.core_type = #tpu.core_type<sc_vector_subcore>, window_params = [{transform_indices = #map}, {transform_indices = #map1}, {transform_indices = #map}]} {
    %mul3A = arith.constant 2 : i32
    %mul3A_0 = arith.muli %arg1, %mul3A : i32
    %add3A = arith.addi %mul3A_0, %arg0 : i32
    "tpu.region"() ({
      %run_scoped3A = tpu.sem_alloc : memref<!tpu.dma_semaphore, #tpu.memory_space<semaphore_mem>>
      %dma_start3A_57 = arith.constant 0 : i32
      %dma_start3A_58 = arith.constant 0 : i32
      %dma_start3A_59 = tpu.memref_slice %arg3[%add3A, %dma_start3A_57, %dma_start3A_58] : memref<32x80x64xi32, #tpu.memory_space<hbm>> -> memref<1x80x64xi32, #tpu.memory_space<hbm>>
      %dma_start3A_60 = tpu.memref_squeeze %dma_start3A_59 : memref<1x80x64xi32, #tpu.memory_space<hbm>> -> memref<80x64xi32, #tpu.memory_space<hbm>>
      %dma_start3A_61 = arith.constant 0 : i32
      %dma_start3A_62 = arith.constant 0 : i32
      %dma_start3A_63 = tpu.memref_slice %arg3[%add3A, %dma_start3A_61, %dma_start3A_62] : memref<32x80x64xi32, #tpu.memory_space<hbm>> -> memref<1x80x64xi32, #tpu.memory_space<hbm>>
      %dma_start3A_64 = tpu.memref_squeeze %dma_start3A_63 : memref<1x80x64xi32, #tpu.memory_space<hbm>> -> memref<80x64xi32, #tpu.memory_space<hbm>>
      tpu.enqueue_dma source(%dma_start3A_64 : memref<80x64xi32, #tpu.memory_space<hbm>>) target(%arg5 : memref<80x64xi32, #tpu.memory_space<vmem>>) target_semaphore(%run_scoped3A : memref<!tpu.dma_semaphore, #tpu.memory_space<semaphore_mem>>)
      %dma_wait3A_65 = arith.constant 0 : i32
      %dma_wait3A_66 = arith.constant 0 : i32
      %dma_wait3A_67 = tpu.memref_slice %arg3[%add3A, %dma_wait3A_65, %dma_wait3A_66] : memref<32x80x64xi32, #tpu.memory_space<hbm>> -> memref<1x80x64xi32, #tpu.memory_space<hbm>>
      %dma_wait3A_68 = tpu.memref_squeeze %dma_wait3A_67 : memref<1x80x64xi32, #tpu.memory_space<hbm>> -> memref<80x64xi32, #tpu.memory_space<hbm>>
      %dma_wait3A_69 = arith.constant 0 : i32
      %dma_wait3A_70 = arith.constant 0 : i32
      %dma_wait3A_71 = tpu.memref_slice %arg3[%add3A, %dma_wait3A_69, %dma_wait3A_70] : memref<32x80x64xi32, #tpu.memory_space<hbm>> -> memref<1x80x64xi32, #tpu.memory_space<hbm>>
      %dma_wait3A_72 = tpu.memref_squeeze %dma_wait3A_71 : memref<1x80x64xi32, #tpu.memory_space<hbm>> -> memref<80x64xi32, #tpu.memory_space<hbm>>
      tpu.wait_dma2 semaphore(%run_scoped3A : memref<!tpu.dma_semaphore, #tpu.memory_space<semaphore_mem>>) src(%dma_wait3A_72 : memref<80x64xi32, #tpu.memory_space<hbm>>) dst(%arg5 : memref<80x64xi32, #tpu.memory_space<vmem>>)
      tpu.yield
    }) : () -> ()
    %mul3A_1 = arith.constant 5120 : i32
    %mul3A_2 = arith.muli %add3A, %mul3A_1 : i32
    %dma_start3A = arith.constant 0 : i32
    %dma_start3A_3 = arith.constant 0 : i32
    %dma_start3A_4 = tpu.memref_slice %arg5[%dma_start3A, %dma_start3A_3] : memref<80x64xi32, #tpu.memory_space<vmem>> -> memref<1x64xi32, #tpu.memory_space<vmem>>
    %dma_start3A_5 = tpu.memref_squeeze %dma_start3A_4 : memref<1x64xi32, #tpu.memory_space<vmem>> -> memref<64xi32, #tpu.memory_space<vmem>>
    %dma_start3A_6 = arith.constant 0 : i32
    %dma_start3A_7 = arith.constant 0 : i32
    %dma_start3A_8 = tpu.memref_slice %arg2[%dma_start3A_6, %dma_start3A_7] : memref<10240x256xi32, #tpu.memory_space<hbm>> -> memref<10240x256xi32, #tpu.memory_space<hbm>>
    tpu.enqueue_indirect_dma source(%dma_start3A_8 : memref<10240x256xi32, #tpu.memory_space<hbm>>) target(%arg6 : memref<64x256xi32, #tpu.memory_space<vmem>>) offsets(%dma_start3A_5 : memref<64xi32, #tpu.memory_space<vmem>>) semaphore(%arg11 : memref<!tpu.dma_semaphore, #tpu.memory_space<semaphore_mem>>)
    %dma_start3A_9 = arith.constant 1 : i32
    %dma_start3A_10 = arith.constant 0 : i32
    %dma_start3A_11 = tpu.memref_slice %arg5[%dma_start3A_9, %dma_start3A_10] : memref<80x64xi32, #tpu.memory_space<vmem>> -> memref<1x64xi32, #tpu.memory_space<vmem>>
    %dma_start3A_12 = tpu.memref_squeeze %dma_start3A_11 : memref<1x64xi32, #tpu.memory_space<vmem>> -> memref<64xi32, #tpu.memory_space<vmem>>
    %dma_start3A_13 = arith.constant 0 : i32
    %dma_start3A_14 = arith.constant 0 : i32
    %dma_start3A_15 = tpu.memref_slice %arg2[%dma_start3A_13, %dma_start3A_14] : memref<10240x256xi32, #tpu.memory_space<hbm>> -> memref<10240x256xi32, #tpu.memory_space<hbm>>
    tpu.enqueue_indirect_dma source(%dma_start3A_15 : memref<10240x256xi32, #tpu.memory_space<hbm>>) target(%arg7 : memref<64x256xi32, #tpu.memory_space<vmem>>) offsets(%dma_start3A_12 : memref<64xi32, #tpu.memory_space<vmem>>) semaphore(%arg12 : memref<!tpu.dma_semaphore, #tpu.memory_space<semaphore_mem>>)
    %dma_start3A_16 = arith.constant 2 : i32
    %dma_start3A_17 = arith.constant 0 : i32
    %dma_start3A_18 = tpu.memref_slice %arg5[%dma_start3A_16, %dma_start3A_17] : memref<80x64xi32, #tpu.memory_space<vmem>> -> memref<1x64xi32, #tpu.memory_space<vmem>>
    %dma_start3A_19 = tpu.memref_squeeze %dma_start3A_18 : memref<1x64xi32, #tpu.memory_space<vmem>> -> memref<64xi32, #tpu.memory_space<vmem>>
    %dma_start3A_20 = arith.constant 0 : i32
    %dma_start3A_21 = arith.constant 0 : i32
    %dma_start3A_22 = tpu.memref_slice %arg2[%dma_start3A_20, %dma_start3A_21] : memref<10240x256xi32, #tpu.memory_space<hbm>> -> memref<10240x256xi32, #tpu.memory_space<hbm>>
    tpu.enqueue_indirect_dma source(%dma_start3A_22 : memref<10240x256xi32, #tpu.memory_space<hbm>>) target(%arg8 : memref<64x256xi32, #tpu.memory_space<vmem>>) offsets(%dma_start3A_19 : memref<64xi32, #tpu.memory_space<vmem>>) semaphore(%arg13 : memref<!tpu.dma_semaphore, #tpu.memory_space<semaphore_mem>>)
    %scan3A = arith.constant 0 : i32
    %scan3A_23 = arith.constant 0 : i32
    %scan3A_24 = arith.constant 16 : i32
    %scan3A_25 = arith.addi %scan3A_23, %scan3A_24 : i32
    %scan3A_26 = arith.constant 1 : i32
    scf.for %scan3A_57 = %scan3A_23 to %scan3A_25 step %scan3A_26  : i32 {
      %mul3A_58 = arith.constant 5 : i32
      %mul3A_59 = arith.muli %mul3A_58, %scan3A_57 : i32
      %add3A_60 = arith.constant 0 : i32
      %add3A_61 = arith.addi %mul3A_59, %add3A_60 : i32
      %dma_wait3A_62 = arith.constant 0 : i32
      %dma_wait3A_63 = tpu.memref_slice %arg5[%add3A_61, %dma_wait3A_62] : memref<80x64xi32, #tpu.memory_space<vmem>> -> memref<1x64xi32, #tpu.memory_space<vmem>>
      %dma_wait3A_64 = tpu.memref_squeeze %dma_wait3A_63 : memref<1x64xi32, #tpu.memory_space<vmem>> -> memref<64xi32, #tpu.memory_space<vmem>>
      %dma_wait3A_65 = arith.constant 0 : i32
      %dma_wait3A_66 = arith.constant 0 : i32
      %dma_wait3A_67 = tpu.memref_slice %arg2[%dma_wait3A_65, %dma_wait3A_66] : memref<10240x256xi32, #tpu.memory_space<hbm>> -> memref<10240x256xi32, #tpu.memory_space<hbm>>
      tpu.wait_indirect_dma semaphore(%arg11 : memref<!tpu.dma_semaphore, #tpu.memory_space<semaphore_mem>>) src(%dma_wait3A_67 : memref<10240x256xi32, #tpu.memory_space<hbm>>) dst(%arg6 : memref<64x256xi32, #tpu.memory_space<vmem>>)
      %mul3A_68 = arith.constant 64 : i32
      %mul3A_69 = arith.muli %add3A_61, %mul3A_68 : i32
      %add3A_70 = arith.addi %mul3A_2, %mul3A_69 : i32
      %dma_start3A_71 = arith.constant 0 : i32
      %dma_start3A_72 = tpu.memref_slice %arg4[%add3A_70, %dma_start3A_71] : memref<163840x256xi32, #tpu.memory_space<hbm>> -> memref<64x256xi32, #tpu.memory_space<hbm>>
      %dma_start3A_73 = arith.constant 0 : i32
      %dma_start3A_74 = tpu.memref_slice %arg4[%add3A_70, %dma_start3A_73] : memref<163840x256xi32, #tpu.memory_space<hbm>> -> memref<64x256xi32, #tpu.memory_space<hbm>>
      tpu.enqueue_dma source(%arg6 : memref<64x256xi32, #tpu.memory_space<vmem>>) target(%dma_start3A_74 : memref<64x256xi32, #tpu.memory_space<hbm>>) target_semaphore(%arg16 : memref<!tpu.dma_semaphore, #tpu.memory_space<semaphore_mem>>)
      %add3A_75 = arith.constant 3 : i32
      %add3A_76 = arith.addi %add3A_61, %add3A_75 : i32
      %lt3A = arith.constant 80 : i32
      %lt3A_77 = arith.cmpi slt, %add3A_76, %lt3A : i32
      %convert_element_type3A = arith.extui %lt3A_77 : i1 to i32
      %cond3A = arith.constant 0 : i32
      %cond3A_78 = arith.cmpi ne, %convert_element_type3A, %cond3A : i32
      scf.if %cond3A_78 {
        %ge3A = arith.constant 5 : i32
        %ge3A_175 = arith.cmpi sge, %add3A_76, %ge3A : i32
        %convert_element_type3A_176 = arith.extui %ge3A_175 : i1 to i32
        %cond3A_177 = arith.constant 0 : i32
        %cond3A_178 = arith.cmpi ne, %convert_element_type3A_176, %cond3A_177 : i32
        scf.if %cond3A_178 {
          %sub3A = arith.constant 5 : i32
          %sub3A_185 = arith.subi %add3A_76, %sub3A : i32
          %mul3A_186 = arith.constant 64 : i32
          %mul3A_187 = arith.muli %sub3A_185, %mul3A_186 : i32
          %add3A_188 = arith.addi %mul3A_2, %mul3A_187 : i32
          %dma_wait3A_189 = arith.constant 0 : i32
          %dma_wait3A_190 = tpu.memref_slice %arg4[%add3A_188, %dma_wait3A_189] : memref<163840x256xi32, #tpu.memory_space<hbm>> -> memref<64x256xi32, #tpu.memory_space<hbm>>
          %dma_wait3A_191 = arith.constant 0 : i32
          %dma_wait3A_192 = tpu.memref_slice %arg4[%add3A_188, %dma_wait3A_191] : memref<163840x256xi32, #tpu.memory_space<hbm>> -> memref<64x256xi32, #tpu.memory_space<hbm>>
          tpu.wait_dma2 semaphore(%arg19 : memref<!tpu.dma_semaphore, #tpu.memory_space<semaphore_mem>>) src(%arg9 : memref<64x256xi32, #tpu.memory_space<vmem>>) dst(%dma_wait3A_192 : memref<64x256xi32, #tpu.memory_space<hbm>>)
        } else {
        }
        %dma_start3A_179 = arith.constant 0 : i32
        %dma_start3A_180 = tpu.memref_slice %arg5[%add3A_76, %dma_start3A_179] : memref<80x64xi32, #tpu.memory_space<vmem>> -> memref<1x64xi32, #tpu.memory_space<vmem>>
        %dma_start3A_181 = tpu.memref_squeeze %dma_start3A_180 : memref<1x64xi32, #tpu.memory_space<vmem>> -> memref<64xi32, #tpu.memory_space<vmem>>
        %dma_start3A_182 = arith.constant 0 : i32
        %dma_start3A_183 = arith.constant 0 : i32
        %dma_start3A_184 = tpu.memref_slice %arg2[%dma_start3A_182, %dma_start3A_183] : memref<10240x256xi32, #tpu.memory_space<hbm>> -> memref<10240x256xi32, #tpu.memory_space<hbm>>
        tpu.enqueue_indirect_dma source(%dma_start3A_184 : memref<10240x256xi32, #tpu.memory_space<hbm>>) target(%arg9 : memref<64x256xi32, #tpu.memory_space<vmem>>) offsets(%dma_start3A_181 : memref<64xi32, #tpu.memory_space<vmem>>) semaphore(%arg14 : memref<!tpu.dma_semaphore, #tpu.memory_space<semaphore_mem>>)
      } else {
      }
      %mul3A_79 = arith.constant 5 : i32
      %mul3A_80 = arith.muli %mul3A_79, %scan3A_57 : i32
      %add3A_81 = arith.constant 1 : i32
      %add3A_82 = arith.addi %mul3A_80, %add3A_81 : i32
      %dma_wait3A_83 = arith.constant 0 : i32
      %dma_wait3A_84 = tpu.memref_slice %arg5[%add3A_82, %dma_wait3A_83] : memref<80x64xi32, #tpu.memory_space<vmem>> -> memref<1x64xi32, #tpu.memory_space<vmem>>
      %dma_wait3A_85 = tpu.memref_squeeze %dma_wait3A_84 : memref<1x64xi32, #tpu.memory_space<vmem>> -> memref<64xi32, #tpu.memory_space<vmem>>
      %dma_wait3A_86 = arith.constant 0 : i32
      %dma_wait3A_87 = arith.constant 0 : i32
      %dma_wait3A_88 = tpu.memref_slice %arg2[%dma_wait3A_86, %dma_wait3A_87] : memref<10240x256xi32, #tpu.memory_space<hbm>> -> memref<10240x256xi32, #tpu.memory_space<hbm>>
      tpu.wait_indirect_dma semaphore(%arg12 : memref<!tpu.dma_semaphore, #tpu.memory_space<semaphore_mem>>) src(%dma_wait3A_88 : memref<10240x256xi32, #tpu.memory_space<hbm>>) dst(%arg7 : memref<64x256xi32, #tpu.memory_space<vmem>>)
      %mul3A_89 = arith.constant 64 : i32
      %mul3A_90 = arith.muli %add3A_82, %mul3A_89 : i32
      %add3A_91 = arith.addi %mul3A_2, %mul3A_90 : i32
      %dma_start3A_92 = arith.constant 0 : i32
      %dma_start3A_93 = tpu.memref_slice %arg4[%add3A_91, %dma_start3A_92] : memref<163840x256xi32, #tpu.memory_space<hbm>> -> memref<64x256xi32, #tpu.memory_space<hbm>>
      %dma_start3A_94 = arith.constant 0 : i32
      %dma_start3A_95 = tpu.memref_slice %arg4[%add3A_91, %dma_start3A_94] : memref<163840x256xi32, #tpu.memory_space<hbm>> -> memref<64x256xi32, #tpu.memory_space<hbm>>
      tpu.enqueue_dma source(%arg7 : memref<64x256xi32, #tpu.memory_space<vmem>>) target(%dma_start3A_95 : memref<64x256xi32, #tpu.memory_space<hbm>>) target_semaphore(%arg17 : memref<!tpu.dma_semaphore, #tpu.memory_space<semaphore_mem>>)
      %add3A_96 = arith.constant 3 : i32
      %add3A_97 = arith.addi %add3A_82, %add3A_96 : i32
      %lt3A_98 = arith.constant 80 : i32
      %lt3A_99 = arith.cmpi slt, %add3A_97, %lt3A_98 : i32
      %convert_element_type3A_100 = arith.extui %lt3A_99 : i1 to i32
      %cond3A_101 = arith.constant 0 : i32
      %cond3A_102 = arith.cmpi ne, %convert_element_type3A_100, %cond3A_101 : i32
      scf.if %cond3A_102 {
        %ge3A = arith.constant 5 : i32
        %ge3A_175 = arith.cmpi sge, %add3A_97, %ge3A : i32
        %convert_element_type3A_176 = arith.extui %ge3A_175 : i1 to i32
        %cond3A_177 = arith.constant 0 : i32
        %cond3A_178 = arith.cmpi ne, %convert_element_type3A_176, %cond3A_177 : i32
        scf.if %cond3A_178 {
          %sub3A = arith.constant 5 : i32
          %sub3A_185 = arith.subi %add3A_97, %sub3A : i32
          %mul3A_186 = arith.constant 64 : i32
          %mul3A_187 = arith.muli %sub3A_185, %mul3A_186 : i32
          %add3A_188 = arith.addi %mul3A_2, %mul3A_187 : i32
          %dma_wait3A_189 = arith.constant 0 : i32
          %dma_wait3A_190 = tpu.memref_slice %arg4[%add3A_188, %dma_wait3A_189] : memref<163840x256xi32, #tpu.memory_space<hbm>> -> memref<64x256xi32, #tpu.memory_space<hbm>>
          %dma_wait3A_191 = arith.constant 0 : i32
          %dma_wait3A_192 = tpu.memref_slice %arg4[%add3A_188, %dma_wait3A_191] : memref<163840x256xi32, #tpu.memory_space<hbm>> -> memref<64x256xi32, #tpu.memory_space<hbm>>
          tpu.wait_dma2 semaphore(%arg20 : memref<!tpu.dma_semaphore, #tpu.memory_space<semaphore_mem>>) src(%arg10 : memref<64x256xi32, #tpu.memory_space<vmem>>) dst(%dma_wait3A_192 : memref<64x256xi32, #tpu.memory_space<hbm>>)
        } else {
        }
        %dma_start3A_179 = arith.constant 0 : i32
        %dma_start3A_180 = tpu.memref_slice %arg5[%add3A_97, %dma_start3A_179] : memref<80x64xi32, #tpu.memory_space<vmem>> -> memref<1x64xi32, #tpu.memory_space<vmem>>
        %dma_start3A_181 = tpu.memref_squeeze %dma_start3A_180 : memref<1x64xi32, #tpu.memory_space<vmem>> -> memref<64xi32, #tpu.memory_space<vmem>>
        %dma_start3A_182 = arith.constant 0 : i32
        %dma_start3A_183 = arith.constant 0 : i32
        %dma_start3A_184 = tpu.memref_slice %arg2[%dma_start3A_182, %dma_start3A_183] : memref<10240x256xi32, #tpu.memory_space<hbm>> -> memref<10240x256xi32, #tpu.memory_space<hbm>>
        tpu.enqueue_indirect_dma source(%dma_start3A_184 : memref<10240x256xi32, #tpu.memory_space<hbm>>) target(%arg10 : memref<64x256xi32, #tpu.memory_space<vmem>>) offsets(%dma_start3A_181 : memref<64xi32, #tpu.memory_space<vmem>>) semaphore(%arg15 : memref<!tpu.dma_semaphore, #tpu.memory_space<semaphore_mem>>)
      } else {
      }
      %mul3A_103 = arith.constant 5 : i32
      %mul3A_104 = arith.muli %mul3A_103, %scan3A_57 : i32
      %add3A_105 = arith.constant 2 : i32
      %add3A_106 = arith.addi %mul3A_104, %add3A_105 : i32
      %dma_wait3A_107 = arith.constant 0 : i32
      %dma_wait3A_108 = tpu.memref_slice %arg5[%add3A_106, %dma_wait3A_107] : memref<80x64xi32, #tpu.memory_space<vmem>> -> memref<1x64xi32, #tpu.memory_space<vmem>>
      %dma_wait3A_109 = tpu.memref_squeeze %dma_wait3A_108 : memref<1x64xi32, #tpu.memory_space<vmem>> -> memref<64xi32, #tpu.memory_space<vmem>>
      %dma_wait3A_110 = arith.constant 0 : i32
      %dma_wait3A_111 = arith.constant 0 : i32
      %dma_wait3A_112 = tpu.memref_slice %arg2[%dma_wait3A_110, %dma_wait3A_111] : memref<10240x256xi32, #tpu.memory_space<hbm>> -> memref<10240x256xi32, #tpu.memory_space<hbm>>
      tpu.wait_indirect_dma semaphore(%arg13 : memref<!tpu.dma_semaphore, #tpu.memory_space<semaphore_mem>>) src(%dma_wait3A_112 : memref<10240x256xi32, #tpu.memory_space<hbm>>) dst(%arg8 : memref<64x256xi32, #tpu.memory_space<vmem>>)
      %mul3A_113 = arith.constant 64 : i32
      %mul3A_114 = arith.muli %add3A_106, %mul3A_113 : i32
      %add3A_115 = arith.addi %mul3A_2, %mul3A_114 : i32
      %dma_start3A_116 = arith.constant 0 : i32
      %dma_start3A_117 = tpu.memref_slice %arg4[%add3A_115, %dma_start3A_116] : memref<163840x256xi32, #tpu.memory_space<hbm>> -> memref<64x256xi32, #tpu.memory_space<hbm>>
      %dma_start3A_118 = arith.constant 0 : i32
      %dma_start3A_119 = tpu.memref_slice %arg4[%add3A_115, %dma_start3A_118] : memref<163840x256xi32, #tpu.memory_space<hbm>> -> memref<64x256xi32, #tpu.memory_space<hbm>>
      tpu.enqueue_dma source(%arg8 : memref<64x256xi32, #tpu.memory_space<vmem>>) target(%dma_start3A_119 : memref<64x256xi32, #tpu.memory_space<hbm>>) target_semaphore(%arg18 : memref<!tpu.dma_semaphore, #tpu.memory_space<semaphore_mem>>)
      %add3A_120 = arith.constant 3 : i32
      %add3A_121 = arith.addi %add3A_106, %add3A_120 : i32
      %lt3A_122 = arith.constant 80 : i32
      %lt3A_123 = arith.cmpi slt, %add3A_121, %lt3A_122 : i32
      %convert_element_type3A_124 = arith.extui %lt3A_123 : i1 to i32
      %cond3A_125 = arith.constant 0 : i32
      %cond3A_126 = arith.cmpi ne, %convert_element_type3A_124, %cond3A_125 : i32
      scf.if %cond3A_126 {
        %ge3A = arith.constant 5 : i32
        %ge3A_175 = arith.cmpi sge, %add3A_121, %ge3A : i32
        %convert_element_type3A_176 = arith.extui %ge3A_175 : i1 to i32
        %cond3A_177 = arith.constant 0 : i32
        %cond3A_178 = arith.cmpi ne, %convert_element_type3A_176, %cond3A_177 : i32
        scf.if %cond3A_178 {
          %sub3A = arith.constant 5 : i32
          %sub3A_185 = arith.subi %add3A_121, %sub3A : i32
          %mul3A_186 = arith.constant 64 : i32
          %mul3A_187 = arith.muli %sub3A_185, %mul3A_186 : i32
          %add3A_188 = arith.addi %mul3A_2, %mul3A_187 : i32
          %dma_wait3A_189 = arith.constant 0 : i32
          %dma_wait3A_190 = tpu.memref_slice %arg4[%add3A_188, %dma_wait3A_189] : memref<163840x256xi32, #tpu.memory_space<hbm>> -> memref<64x256xi32, #tpu.memory_space<hbm>>
          %dma_wait3A_191 = arith.constant 0 : i32
          %dma_wait3A_192 = tpu.memref_slice %arg4[%add3A_188, %dma_wait3A_191] : memref<163840x256xi32, #tpu.memory_space<hbm>> -> memref<64x256xi32, #tpu.memory_space<hbm>>
          tpu.wait_dma2 semaphore(%arg16 : memref<!tpu.dma_semaphore, #tpu.memory_space<semaphore_mem>>) src(%arg6 : memref<64x256xi32, #tpu.memory_space<vmem>>) dst(%dma_wait3A_192 : memref<64x256xi32, #tpu.memory_space<hbm>>)
        } else {
        }
        %dma_start3A_179 = arith.constant 0 : i32
        %dma_start3A_180 = tpu.memref_slice %arg5[%add3A_121, %dma_start3A_179] : memref<80x64xi32, #tpu.memory_space<vmem>> -> memref<1x64xi32, #tpu.memory_space<vmem>>
        %dma_start3A_181 = tpu.memref_squeeze %dma_start3A_180 : memref<1x64xi32, #tpu.memory_space<vmem>> -> memref<64xi32, #tpu.memory_space<vmem>>
        %dma_start3A_182 = arith.constant 0 : i32
        %dma_start3A_183 = arith.constant 0 : i32
        %dma_start3A_184 = tpu.memref_slice %arg2[%dma_start3A_182, %dma_start3A_183] : memref<10240x256xi32, #tpu.memory_space<hbm>> -> memref<10240x256xi32, #tpu.memory_space<hbm>>
        tpu.enqueue_indirect_dma source(%dma_start3A_184 : memref<10240x256xi32, #tpu.memory_space<hbm>>) target(%arg6 : memref<64x256xi32, #tpu.memory_space<vmem>>) offsets(%dma_start3A_181 : memref<64xi32, #tpu.memory_space<vmem>>) semaphore(%arg11 : memref<!tpu.dma_semaphore, #tpu.memory_space<semaphore_mem>>)
      } else {
      }
      %mul3A_127 = arith.constant 5 : i32
      %mul3A_128 = arith.muli %mul3A_127, %scan3A_57 : i32
      %add3A_129 = arith.constant 3 : i32
      %add3A_130 = arith.addi %mul3A_128, %add3A_129 : i32
      %dma_wait3A_131 = arith.constant 0 : i32
      %dma_wait3A_132 = tpu.memref_slice %arg5[%add3A_130, %dma_wait3A_131] : memref<80x64xi32, #tpu.memory_space<vmem>> -> memref<1x64xi32, #tpu.memory_space<vmem>>
      %dma_wait3A_133 = tpu.memref_squeeze %dma_wait3A_132 : memref<1x64xi32, #tpu.memory_space<vmem>> -> memref<64xi32, #tpu.memory_space<vmem>>
      %dma_wait3A_134 = arith.constant 0 : i32
      %dma_wait3A_135 = arith.constant 0 : i32
      %dma_wait3A_136 = tpu.memref_slice %arg2[%dma_wait3A_134, %dma_wait3A_135] : memref<10240x256xi32, #tpu.memory_space<hbm>> -> memref<10240x256xi32, #tpu.memory_space<hbm>>
      tpu.wait_indirect_dma semaphore(%arg14 : memref<!tpu.dma_semaphore, #tpu.memory_space<semaphore_mem>>) src(%dma_wait3A_136 : memref<10240x256xi32, #tpu.memory_space<hbm>>) dst(%arg9 : memref<64x256xi32, #tpu.memory_space<vmem>>)
      %mul3A_137 = arith.constant 64 : i32
      %mul3A_138 = arith.muli %add3A_130, %mul3A_137 : i32
      %add3A_139 = arith.addi %mul3A_2, %mul3A_138 : i32
      %dma_start3A_140 = arith.constant 0 : i32
      %dma_start3A_141 = tpu.memref_slice %arg4[%add3A_139, %dma_start3A_140] : memref<163840x256xi32, #tpu.memory_space<hbm>> -> memref<64x256xi32, #tpu.memory_space<hbm>>
      %dma_start3A_142 = arith.constant 0 : i32
      %dma_start3A_143 = tpu.memref_slice %arg4[%add3A_139, %dma_start3A_142] : memref<163840x256xi32, #tpu.memory_space<hbm>> -> memref<64x256xi32, #tpu.memory_space<hbm>>
      tpu.enqueue_dma source(%arg9 : memref<64x256xi32, #tpu.memory_space<vmem>>) target(%dma_start3A_143 : memref<64x256xi32, #tpu.memory_space<hbm>>) target_semaphore(%arg19 : memref<!tpu.dma_semaphore, #tpu.memory_space<semaphore_mem>>)
      %add3A_144 = arith.constant 3 : i32
      %add3A_145 = arith.addi %add3A_130, %add3A_144 : i32
      %lt3A_146 = arith.constant 80 : i32
      %lt3A_147 = arith.cmpi slt, %add3A_145, %lt3A_146 : i32
      %convert_element_type3A_148 = arith.extui %lt3A_147 : i1 to i32
      %cond3A_149 = arith.constant 0 : i32
      %cond3A_150 = arith.cmpi ne, %convert_element_type3A_148, %cond3A_149 : i32
      scf.if %cond3A_150 {
        %ge3A = arith.constant 5 : i32
        %ge3A_175 = arith.cmpi sge, %add3A_145, %ge3A : i32
        %convert_element_type3A_176 = arith.extui %ge3A_175 : i1 to i32
        %cond3A_177 = arith.constant 0 : i32
        %cond3A_178 = arith.cmpi ne, %convert_element_type3A_176, %cond3A_177 : i32
        scf.if %cond3A_178 {
          %sub3A = arith.constant 5 : i32
          %sub3A_185 = arith.subi %add3A_145, %sub3A : i32
          %mul3A_186 = arith.constant 64 : i32
          %mul3A_187 = arith.muli %sub3A_185, %mul3A_186 : i32
          %add3A_188 = arith.addi %mul3A_2, %mul3A_187 : i32
          %dma_wait3A_189 = arith.constant 0 : i32
          %dma_wait3A_190 = tpu.memref_slice %arg4[%add3A_188, %dma_wait3A_189] : memref<163840x256xi32, #tpu.memory_space<hbm>> -> memref<64x256xi32, #tpu.memory_space<hbm>>
          %dma_wait3A_191 = arith.constant 0 : i32
          %dma_wait3A_192 = tpu.memref_slice %arg4[%add3A_188, %dma_wait3A_191] : memref<163840x256xi32, #tpu.memory_space<hbm>> -> memref<64x256xi32, #tpu.memory_space<hbm>>
          tpu.wait_dma2 semaphore(%arg17 : memref<!tpu.dma_semaphore, #tpu.memory_space<semaphore_mem>>) src(%arg7 : memref<64x256xi32, #tpu.memory_space<vmem>>) dst(%dma_wait3A_192 : memref<64x256xi32, #tpu.memory_space<hbm>>)
        } else {
        }
        %dma_start3A_179 = arith.constant 0 : i32
        %dma_start3A_180 = tpu.memref_slice %arg5[%add3A_145, %dma_start3A_179] : memref<80x64xi32, #tpu.memory_space<vmem>> -> memref<1x64xi32, #tpu.memory_space<vmem>>
        %dma_start3A_181 = tpu.memref_squeeze %dma_start3A_180 : memref<1x64xi32, #tpu.memory_space<vmem>> -> memref<64xi32, #tpu.memory_space<vmem>>
        %dma_start3A_182 = arith.constant 0 : i32
        %dma_start3A_183 = arith.constant 0 : i32
        %dma_start3A_184 = tpu.memref_slice %arg2[%dma_start3A_182, %dma_start3A_183] : memref<10240x256xi32, #tpu.memory_space<hbm>> -> memref<10240x256xi32, #tpu.memory_space<hbm>>
        tpu.enqueue_indirect_dma source(%dma_start3A_184 : memref<10240x256xi32, #tpu.memory_space<hbm>>) target(%arg7 : memref<64x256xi32, #tpu.memory_space<vmem>>) offsets(%dma_start3A_181 : memref<64xi32, #tpu.memory_space<vmem>>) semaphore(%arg12 : memref<!tpu.dma_semaphore, #tpu.memory_space<semaphore_mem>>)
      } else {
      }
      %mul3A_151 = arith.constant 5 : i32
      %mul3A_152 = arith.muli %mul3A_151, %scan3A_57 : i32
      %add3A_153 = arith.constant 4 : i32
      %add3A_154 = arith.addi %mul3A_152, %add3A_153 : i32
      %dma_wait3A_155 = arith.constant 0 : i32
      %dma_wait3A_156 = tpu.memref_slice %arg5[%add3A_154, %dma_wait3A_155] : memref<80x64xi32, #tpu.memory_space<vmem>> -> memref<1x64xi32, #tpu.memory_space<vmem>>
      %dma_wait3A_157 = tpu.memref_squeeze %dma_wait3A_156 : memref<1x64xi32, #tpu.memory_space<vmem>> -> memref<64xi32, #tpu.memory_space<vmem>>
      %dma_wait3A_158 = arith.constant 0 : i32
      %dma_wait3A_159 = arith.constant 0 : i32
      %dma_wait3A_160 = tpu.memref_slice %arg2[%dma_wait3A_158, %dma_wait3A_159] : memref<10240x256xi32, #tpu.memory_space<hbm>> -> memref<10240x256xi32, #tpu.memory_space<hbm>>
      tpu.wait_indirect_dma semaphore(%arg15 : memref<!tpu.dma_semaphore, #tpu.memory_space<semaphore_mem>>) src(%dma_wait3A_160 : memref<10240x256xi32, #tpu.memory_space<hbm>>) dst(%arg10 : memref<64x256xi32, #tpu.memory_space<vmem>>)
      %mul3A_161 = arith.constant 64 : i32
      %mul3A_162 = arith.muli %add3A_154, %mul3A_161 : i32
      %add3A_163 = arith.addi %mul3A_2, %mul3A_162 : i32
      %dma_start3A_164 = arith.constant 0 : i32
      %dma_start3A_165 = tpu.memref_slice %arg4[%add3A_163, %dma_start3A_164] : memref<163840x256xi32, #tpu.memory_space<hbm>> -> memref<64x256xi32, #tpu.memory_space<hbm>>
      %dma_start3A_166 = arith.constant 0 : i32
      %dma_start3A_167 = tpu.memref_slice %arg4[%add3A_163, %dma_start3A_166] : memref<163840x256xi32, #tpu.memory_space<hbm>> -> memref<64x256xi32, #tpu.memory_space<hbm>>
      tpu.enqueue_dma source(%arg10 : memref<64x256xi32, #tpu.memory_space<vmem>>) target(%dma_start3A_167 : memref<64x256xi32, #tpu.memory_space<hbm>>) target_semaphore(%arg20 : memref<!tpu.dma_semaphore, #tpu.memory_space<semaphore_mem>>)
      %add3A_168 = arith.constant 3 : i32
      %add3A_169 = arith.addi %add3A_154, %add3A_168 : i32
      %lt3A_170 = arith.constant 80 : i32
      %lt3A_171 = arith.cmpi slt, %add3A_169, %lt3A_170 : i32
      %convert_element_type3A_172 = arith.extui %lt3A_171 : i1 to i32
      %cond3A_173 = arith.constant 0 : i32
      %cond3A_174 = arith.cmpi ne, %convert_element_type3A_172, %cond3A_173 : i32
      scf.if %cond3A_174 {
        %ge3A = arith.constant 5 : i32
        %ge3A_175 = arith.cmpi sge, %add3A_169, %ge3A : i32
        %convert_element_type3A_176 = arith.extui %ge3A_175 : i1 to i32
        %cond3A_177 = arith.constant 0 : i32
        %cond3A_178 = arith.cmpi ne, %convert_element_type3A_176, %cond3A_177 : i32
        scf.if %cond3A_178 {
          %sub3A = arith.constant 5 : i32
          %sub3A_185 = arith.subi %add3A_169, %sub3A : i32
          %mul3A_186 = arith.constant 64 : i32
          %mul3A_187 = arith.muli %sub3A_185, %mul3A_186 : i32
          %add3A_188 = arith.addi %mul3A_2, %mul3A_187 : i32
          %dma_wait3A_189 = arith.constant 0 : i32
          %dma_wait3A_190 = tpu.memref_slice %arg4[%add3A_188, %dma_wait3A_189] : memref<163840x256xi32, #tpu.memory_space<hbm>> -> memref<64x256xi32, #tpu.memory_space<hbm>>
          %dma_wait3A_191 = arith.constant 0 : i32
          %dma_wait3A_192 = tpu.memref_slice %arg4[%add3A_188, %dma_wait3A_191] : memref<163840x256xi32, #tpu.memory_space<hbm>> -> memref<64x256xi32, #tpu.memory_space<hbm>>
          tpu.wait_dma2 semaphore(%arg18 : memref<!tpu.dma_semaphore, #tpu.memory_space<semaphore_mem>>) src(%arg8 : memref<64x256xi32, #tpu.memory_space<vmem>>) dst(%dma_wait3A_192 : memref<64x256xi32, #tpu.memory_space<hbm>>)
        } else {
        }
        %dma_start3A_179 = arith.constant 0 : i32
        %dma_start3A_180 = tpu.memref_slice %arg5[%add3A_169, %dma_start3A_179] : memref<80x64xi32, #tpu.memory_space<vmem>> -> memref<1x64xi32, #tpu.memory_space<vmem>>
        %dma_start3A_181 = tpu.memref_squeeze %dma_start3A_180 : memref<1x64xi32, #tpu.memory_space<vmem>> -> memref<64xi32, #tpu.memory_space<vmem>>
        %dma_start3A_182 = arith.constant 0 : i32
        %dma_start3A_183 = arith.constant 0 : i32
        %dma_start3A_184 = tpu.memref_slice %arg2[%dma_start3A_182, %dma_start3A_183] : memref<10240x256xi32, #tpu.memory_space<hbm>> -> memref<10240x256xi32, #tpu.memory_space<hbm>>
        tpu.enqueue_indirect_dma source(%dma_start3A_184 : memref<10240x256xi32, #tpu.memory_space<hbm>>) target(%arg8 : memref<64x256xi32, #tpu.memory_space<vmem>>) offsets(%dma_start3A_181 : memref<64xi32, #tpu.memory_space<vmem>>) semaphore(%arg13 : memref<!tpu.dma_semaphore, #tpu.memory_space<semaphore_mem>>)
      } else {
      }
    }
    %scan3A_27 = arith.constant 16 : i32
    %add3A_28 = arith.constant 4800 : i32
    %add3A_29 = arith.addi %mul3A_2, %add3A_28 : i32
    %dma_wait3A = arith.constant 0 : i32
    %dma_wait3A_30 = tpu.memref_slice %arg4[%add3A_29, %dma_wait3A] : memref<163840x256xi32, #tpu.memory_space<hbm>> -> memref<64x256xi32, #tpu.memory_space<hbm>>
    %dma_wait3A_31 = arith.constant 0 : i32
    %dma_wait3A_32 = tpu.memref_slice %arg4[%add3A_29, %dma_wait3A_31] : memref<163840x256xi32, #tpu.memory_space<hbm>> -> memref<64x256xi32, #tpu.memory_space<hbm>>
    tpu.wait_dma2 semaphore(%arg16 : memref<!tpu.dma_semaphore, #tpu.memory_space<semaphore_mem>>) src(%arg6 : memref<64x256xi32, #tpu.memory_space<vmem>>) dst(%dma_wait3A_32 : memref<64x256xi32, #tpu.memory_space<hbm>>)
    %add3A_33 = arith.constant 4864 : i32
    %add3A_34 = arith.addi %mul3A_2, %add3A_33 : i32
    %dma_wait3A_35 = arith.constant 0 : i32
    %dma_wait3A_36 = tpu.memref_slice %arg4[%add3A_34, %dma_wait3A_35] : memref<163840x256xi32, #tpu.memory_space<hbm>> -> memref<64x256xi32, #tpu.memory_space<hbm>>
    %dma_wait3A_37 = arith.constant 0 : i32
    %dma_wait3A_38 = tpu.memref_slice %arg4[%add3A_34, %dma_wait3A_37] : memref<163840x256xi32, #tpu.memory_space<hbm>> -> memref<64x256xi32, #tpu.memory_space<hbm>>
    tpu.wait_dma2 semaphore(%arg17 : memref<!tpu.dma_semaphore, #tpu.memory_space<semaphore_mem>>) src(%arg7 : memref<64x256xi32, #tpu.memory_space<vmem>>) dst(%dma_wait3A_38 : memref<64x256xi32, #tpu.memory_space<hbm>>)
    %add3A_39 = arith.constant 4928 : i32
    %add3A_40 = arith.addi %mul3A_2, %add3A_39 : i32
    %dma_wait3A_41 = arith.constant 0 : i32
    %dma_wait3A_42 = tpu.memref_slice %arg4[%add3A_40, %dma_wait3A_41] : memref<163840x256xi32, #tpu.memory_space<hbm>> -> memref<64x256xi32, #tpu.memory_space<hbm>>
    %dma_wait3A_43 = arith.constant 0 : i32
    %dma_wait3A_44 = tpu.memref_slice %arg4[%add3A_40, %dma_wait3A_43] : memref<163840x256xi32, #tpu.memory_space<hbm>> -> memref<64x256xi32, #tpu.memory_space<hbm>>
    tpu.wait_dma2 semaphore(%arg18 : memref<!tpu.dma_semaphore, #tpu.memory_space<semaphore_mem>>) src(%arg8 : memref<64x256xi32, #tpu.memory_space<vmem>>) dst(%dma_wait3A_44 : memref<64x256xi32, #tpu.memory_space<hbm>>)
    %add3A_45 = arith.constant 4992 : i32
    %add3A_46 = arith.addi %mul3A_2, %add3A_45 : i32
    %dma_wait3A_47 = arith.constant 0 : i32
    %dma_wait3A_48 = tpu.memref_slice %arg4[%add3A_46, %dma_wait3A_47] : memref<163840x256xi32, #tpu.memory_space<hbm>> -> memref<64x256xi32, #tpu.memory_space<hbm>>
    %dma_wait3A_49 = arith.constant 0 : i32
    %dma_wait3A_50 = tpu.memref_slice %arg4[%add3A_46, %dma_wait3A_49] : memref<163840x256xi32, #tpu.memory_space<hbm>> -> memref<64x256xi32, #tpu.memory_space<hbm>>
    tpu.wait_dma2 semaphore(%arg19 : memref<!tpu.dma_semaphore, #tpu.memory_space<semaphore_mem>>) src(%arg9 : memref<64x256xi32, #tpu.memory_space<vmem>>) dst(%dma_wait3A_50 : memref<64x256xi32, #tpu.memory_space<hbm>>)
    %add3A_51 = arith.constant 5056 : i32
    %add3A_52 = arith.addi %mul3A_2, %add3A_51 : i32
    %dma_wait3A_53 = arith.constant 0 : i32
    %dma_wait3A_54 = tpu.memref_slice %arg4[%add3A_52, %dma_wait3A_53] : memref<163840x256xi32, #tpu.memory_space<hbm>> -> memref<64x256xi32, #tpu.memory_space<hbm>>
    %dma_wait3A_55 = arith.constant 0 : i32
    %dma_wait3A_56 = tpu.memref_slice %arg4[%add3A_52, %dma_wait3A_55] : memref<163840x256xi32, #tpu.memory_space<hbm>> -> memref<64x256xi32, #tpu.memory_space<hbm>>
    tpu.wait_dma2 semaphore(%arg20 : memref<!tpu.dma_semaphore, #tpu.memory_space<semaphore_mem>>) src(%arg10 : memref<64x256xi32, #tpu.memory_space<vmem>>) dst(%dma_wait3A_56 : memref<64x256xi32, #tpu.memory_space<hbm>>)
    return
  }
}

</mosaic_0001>

<sc_bundles>
// kernel: _sc_gather.3.cloned.1.call-start
scs
__scs_entry_jumppad:
0x0: {  	(pc) =	sbr.rel $0x88, $3  }
0x1: {  	(tag) =	ssettag $0x0;
	lr =	simm.s32 $0x1  }
0x2: {  	[smem:$0x3F9F] =	sst lr;
	_ =	strace $0xD0000000  }
0x3: {  	_ = 	snop  }
0x4: {  	_ = 	snop  }
0x5: {  	_ = 	snop  }
0x6: {  	_ = 	snop  }
0x7: {  	_ = 	snop  }
__scs_overlays_trampoline_lowered:
0x8: {  	[smem:$0x3FAE] =	sst s0  }
0x9: {  	[smem:$0x3FAF] =	sst s1  }
0xa: {  	[smem:$0x3FB0] =	sst s2  }
0xb: {  	[smem:$0x3FB1] =	sst s3  }
0xc: {  	[smem:$0x3FB2] =	sst s4  }
0xd: {  	[smem:$0x3FB3] =	sst s5  }
0xe: {  	[smem:$0x3FB4] =	sst s6  }
0xf: {  	[smem:$0x3FB5] =	sst s7  }
0x10: {  	[smem:$0x3FB6] =	sst s8  }
0x11: {  	[smem:$0x3FB7] =	sst s9;
	s0 =	simm.s32 @!p0 $0x0  }
0x12: {  	s1 =	sld [smem:$0x3F9D];
	s0 =	simm.s32 @p0 $0x1  }
0x13: {  	[smem:$0x3FB8] =	sst s0;
	s0 =	simm.s32 @!p1 $0x0  }
0x14: {  	s2 =	sld [smem:$0x3F9C];
	s0 =	simm.s32 @p1 $0x1  }
0x15: {  	[smem:$0x3FB9] =	sst s0;
	s0 =	simm.s32 @!p2 $0x0  }
0x16: {  	s3 =	sld [smem:$0x3FDB];
	s0 =	simm.s32 @p2 $0x1  }
0x17: {  	s4 =	simm.s32 $0x1BF5;
	[smem:$0x3FBB] =	sst s0  }
0x18: {  	s0 =	sld [smem:$0x3F9E];
	_ =	swait.ge [sflag:s4], $0x0  }
0x19: {  	s7 =	sld [smem:$0x3F9F]  }
0x1a: {  	s8 =	sadd.s32 $0xFFFFE003, lr  }
0x1b: {  	s9 =	sadd.s32 $0xFFFFFEF7, lr;
	s5 =	simm.s32 $0xFFFFFFFF;
	p2 =	slt.u32 s8, $0xFFFFF086  }
0x1c: {  	p1 =	slt.u32 s9, $0xF7A;
	s5 =	simm.s32 @!p2 $0x0  }
0x1d: {  	s5 =	simm.s32 @p1 $0x1;
	p0 =	seq.s32 s7, s2  }
0x1e: {  	s7 =	smul.u32 @!p0 $0xF7A, s2;
	p2 =	seq.s32 @!p0 s5, $0x0  }
0x1f: {  	s9 =	smul.u32 $0xF7A, s1;
	s8 =	simm.s32 @!p0 $0x1BF5;
	p2 =	por !p2, p0  }
0x20: {  	[sflag:s8] =	ssyncset.s32 @!p0 $0xFFFFF086;
	s6 =	sadd.s32 @!p0 s3, s7;
	s7 =	simm.s32 @!p0 $0x108  }
0x21: {  	s3 =	sadd.s32 s3, s9;
	s6 =	sadd.s32 @!p0 $0x88, s6;
	s7 =	simm.s32 @p2 $0x1082  }
0x22: {  	[simem:s7], [sflag:s8] =	dma.local @!p0 [hbm:s6], $0xF7A  }
0x23: {  	s9 =	sor.u32 $0xD0000000, s2;
	s6 =	simm.s32 $0x108;
	_ =	swait.ge @!p0 [sflag:s8], $0x0  }
0x24: {  	s3 =	sadd.s32 $0x88, s3;
	s6 =	simm.s32 @!p1 $0x1082;
	[sflag:s4] =	ssyncset.s32 $0xFFFFF086  }
0x25: {  	[simem:s6], [sflag:s4] =	dma.local [hbm:s3], $0xF7A  }
0x26: {  	[smem:$0x3F9F] =	sst s1;
	(tag) =	ssettag s2;
	_ =	strace s9  }
0x27: {  	s1 =	sld [smem:$0x3FAF]  }
0x28: {  	s2 =	sld [smem:$0x3FB0]  }
0x29: {  	s4 =	sld [smem:$0x3FB2]  }
0x2a: {  	p0 =	seq.s32 s5, $0x0;
	s5 =	sld [smem:$0x3FB3]  }
0x2b: {  	s6 =	sld [smem:$0x3FB4]  }
0x2c: {  	s7 =	sld [smem:$0x3FB5]  }
0x2d: {  	s3 =	simm.s32 $0x108;
	s8 =	sld [smem:$0x3FB6]  }
0x2e: {  	s3 =	simm.s32 @!p0 $0x1082;
	s9 =	sld [smem:$0x3FB7]  }
0x2f: {  	lr =	sadd.s32 s0, s3;
	s0 =	sld [smem:$0x3FAE]  }
0x30: {  	s3 =	sld [smem:$0x3FB1]  }
0x31: {  	[smem:$0x3FBA] =	sst s10  }
0x32: {  	s10 =	sld [smem:$0x3FB8];
	_ =	sdelay $0x3  }
0x33: {  	p0 =	seq.s32 s10, $0x1;
	s10 =	sld [smem:$0x3FBA];
	_ =	sdelay $0x3  }
0x34: {  	[smem:$0x3FBA] =	sst s10  }
0x35: {  	s10 =	sld [smem:$0x3FB9];
	_ =	sdelay $0x3  }
0x36: {  	p1 =	seq.s32 s10, $0x1;
	s10 =	sld [smem:$0x3FBA];
	_ =	sdelay $0x3  }
0x37: {  	[smem:$0x3FBA] =	sst s10  }
0x38: {  	s10 =	sld [smem:$0x3FBB]  }
0x39: {  	_ = 	snop;
	(pc) =	sbr.ind lr, $3  }
0x3a: {  	_ = 	snop  }
0x3b: {  	_ = 	snop  }
0x3c: {  	p2 =	seq.s32 s10, $0x1;
	s10 =	sld [smem:$0x3FBA]  }
0x3d: {  	_ =	shalt  }
0x3e: {  	_ =	shalt  }
0x3f: {  	_ =	shalt  }
0x40: {  	_ =	shalt  }
0x41: {  	_ =	shalt  }
0x42: {  	_ =	shalt  }
0x43: {  	_ =	shalt  }
0x44: {  	_ =	shalt  }
0x45: {  	_ =	shalt  }
0x46: {  	_ =	shalt  }
0x47: {  	_ =	shalt  }
0x48: {  	_ =	shalt  }
0x49: {  	_ =	shalt  }
0x4a: {  	_ =	shalt  }
0x4b: {  	_ =	shalt  }
0x4c: {  	_ =	shalt  }
0x4d: {  	_ =	shalt  }
0x4e: {  	_ =	shalt  }
0x4f: {  	_ =	shalt  }
0x50: {  	_ =	shalt  }
0x51: {  	_ =	shalt  }
0x52: {  	_ =	shalt  }
0x53: {  	_ =	shalt  }
0x54: {  	_ =	shalt  }
0x55: {  	_ =	shalt  }
0x56: {  	_ =	shalt  }
0x57: {  	_ =	shalt  }
0x58: {  	_ =	shalt  }
0x59: {  	_ =	shalt  }
0x5a: {  	_ =	shalt  }
0x5b: {  	_ =	shalt  }
0x5c: {  	_ =	shalt  }
0x5d: {  	_ =	shalt  }
0x5e: {  	_ =	shalt  }
0x5f: {  	_ =	shalt  }
0x60: {  	_ =	shalt  }
0x61: {  	_ =	shalt  }
0x62: {  	_ =	shalt  }
0x63: {  	_ =	shalt  }
0x64: {  	_ =	shalt  }
0x65: {  	_ =	shalt  }
0x66: {  	_ =	shalt  }
0x67: {  	_ =	shalt  }
0x68: {  	_ =	shalt  }
0x69: {  	_ =	shalt  }
0x6a: {  	_ =	shalt  }
0x6b: {  	_ =	shalt  }
0x6c: {  	_ =	shalt  }
0x6d: {  	_ =	shalt  }
0x6e: {  	_ =	shalt  }
0x6f: {  	_ =	shalt  }
0x70: {  	_ =	shalt  }
0x71: {  	_ =	shalt  }
0x72: {  	_ =	shalt  }
0x73: {  	_ =	shalt  }
0x74: {  	_ =	shalt  }
0x75: {  	_ =	shalt  }
0x76: {  	_ =	shalt  }
0x77: {  	_ =	shalt  }
0x78: {  	_ =	shalt  }
0x79: {  	_ =	shalt  }
0x7a: {  	_ =	shalt  }
0x7b: {  	_ =	shalt  }
0x7c: {  	_ =	shalt  }
0x7d: {  	_ =	shalt  }
0x7e: {  	_ =	shalt  }
0x7f: {  	_ =	shalt  }
0x80: {  	_ =	shalt  }
0x81: {  	_ =	shalt  }
0x82: {  	_ =	shalt  }
0x83: {  	_ =	shalt  }
0x84: {  	_ =	shalt  }
0x85: {  	_ =	shalt  }
0x86: {  	_ =	shalt  }
0x87: {  	_ =	shalt  }
.Lfunc_end0:
.L_simem_size_0:
called_computation_lowered:
.L_overlay_start_0:
0x88: {  	s2 =	sld [smem:$0x3FD9]  }
0x89: {  	s3 =	sld [smem:$0x3FFE];
	_ =	sdelay $0x1  }
0x8a: {  	s1 =	srdreg.scid  }
0x8b: {  	s0 =	sand.u32 $0x1, s1  }
0x8c: {  	s17 =	sshll.u32 s0, $0xA;
	s2 =	sadd.s32 s3, s2  }
0x8d: {  	s2 =	sadd.s32 s2, s17  }
0x8e: {  	[smem:$0x3FC6] =	sst s2  }
0x8f: {  	_ = 	snop  }
0x90: {  	s2 =	sld [smem:$0x3FC9]  }
0x91: {  	s18 =	sld [smem:$0x3FD0];
	(tm) =	ssettm $0x1  }
0x92: {  	s4 =	sld [smem:$0x3FFB];
	_ =	sdelay $0x3  }
0x93: {  	_ =	strace s4  }
0x94: {  	s4 =	sld [smem:$0x3FFC];
	_ =	sdelay $0x3  }
0x95: {  	_ =	strace s4  }
0x96: {  	s4 =	sld [smem:$0x3FFD];
	_ =	sdelay $0x3  }
0x97: {  	_ =	strace s4  }
0x98: {  	_ =	strace $0x8FFFFFFF  }
0x99: {  	s19 =	sld [smem:$0x3FDB];
	_ =	sdelay $0x1  }
0x9a: {  	s5 =	simm.s32 $_scs_section_size  }
0x9b: {  	s6 =	simm.s32 $_size__tile_overlayer_lowered;
	s7 =	simm.s32 $_tile_overlayer_lowered  }
0x9c: {  	s22 =	simm.s32 $0x1BFF;
	s21 =	sshll.u32 s7, $0x1;
	s4 =	sadd.s32 s5, s19  }
0x9d: {  	s8 =	simm.s32 $0x0;
	s20 =	sshll.u32 s6, $0x1;
	s6 =	sadd.s32 s21, s4  }
0x9e: {  	[timem:s8], [sflag:s22] =	dma.local [hbm:s6], s20  }
0x9f: {  	_ =	swait.ge [sflag:s22], s20  }
0xa0: {  	s5 =	ssub.s32 $0x0, s20;
	[sflag:s22] =	ssyncset.done $0x0  }
0xa1: {  	[sflag:s22] =	ssyncadd.s32 s5;
	_ =	sdelay $0x1  }
0xa2: {  	s23 =	simm.s32 $0x1B8B  }
0xa3: {  	_ =	swait.ge [sflag:s23], $0x1  }
0xa4: {  	[sflag:s23] =	ssyncset.done $0x0  }
0xa5: {  	s25 =	simm.s32 $0x1B8E;
	s24 =	sld [smem:$0x3FFE];
	[sflag:s23] =	ssyncadd.s32 $0xFFFFFFFF  }
0xa6: {  	s26 =	simm.s32 $execute0_lowered;
	[smem:$0x3FD2] =	sst s25  }
0xa7: {  	s6 =	sshll.u32 s26, $0x1;
	_ =	strace $0x80000046;
	[dreg:$0x1] =	wrdreg $0xFFFFFFFF  }
0xa8: {  	s28 =	simm.s32 $_size_execute0_lowered;
	s4 =	sadd.s32 s4, s6;
	[dreg:$0x0] =	wrdreg $0x0  }
0xa9: {  	s6 =	sshll.u32 s28, $0x1;
	[dreg:$0x2] =	wrdreg s4  }
0xaa: {  	[dreg:$0x3] =	wrdreg s6  }
0xab: {  	[dreg:$0x4] =	wrdreg $0xC0  }
0xac: {  	_ =	task [dreg:s8], $0x5FFFF  }
0xad: {  	[dreg:$0x1] =	wrdreg $0xFFFFFFFF  }
0xae: {  	[dreg:$0x0] =	wrdreg $0x60  }
0xaf: {  	[dreg:$0x2] =	wrdreg s2  }
0xb0: {  	[dreg:$0x3] =	wrdreg s24  }
0xb1: {  	[dreg:$0x4] =	wrdreg s18  }
0xb2: {  	[dreg:$0x5] =	wrdreg $0x9  }
0xb3: {  	_ =	task.clear_ibuf [dreg:s8], $0x6FFFF;
	_ =	strace $0x90000046  }
0xb4: {  	s29 =	simm.s32 $0x9;
	_ =	strace $0x80000048  }
0xb5: {  	_ =	swait.ge [sflag:s29], $0x1  }
0xb6: {  	[sflag:s29] =	ssyncadd.s32 $0xFFFFFFFF  }
0xb7: {  	_ =	strace $0x90000048  }
0xb8: {  	_ =	sfence  }
0xb9: {  	s30 =	sld [smem:$0x0];
	_ =	sdelay $0x2  }
0xba: {  	s31 =	sshll.u32 s1, $0xD;
	s1 =	sshrl.u32 s1, $0x2  }
0xbb: {  	s3 =	sand.u32 $0x4000, s31;
	s1 =	sadd.s32 s1, s30  }
0xbc: {  	s0 =	sor.u32 s3, s0;
	s1 =	sshll.u32 s1, $0x11  }
0xbd: {  	s0 =	sor.u32 s1, s0  }
0xbe: {  	s0 =	sadd.s32 $0x8F2B, s0  }
0xbf: {  	[sflag:s0] =	ssyncadd.remote.s32 $0x1  }
0xc0: {  	_ =	sfence.sel $0xFFFF  }
0xc1: {  	[dreg:$0x0] =	wrdreg $0xFFFFFFFF;
	(pc) =	sbr.abs _section_cstart, $3  }
0xc2: {  	[dreg:$0x1] =	wrdreg $0xFFFFFFFF  }
0xc3: {  	_ =	task.clear_ibuf [dreg:s8], $0x2FFFF;
	_ =	strace $0x9FFFFFFF  }
0xc4: {  	(tm) =	ssettm $0x7FFFFFFF  }
0xc5: {  	_ =	shalt  }
tec
execute0_lowered:
.L_overlay_start_1:
0x0: {  	(tag) =	ssettag $0x1  }
0x1: {  	s1 =	rddreg [dreg:$0x0]  }
0x2: {  	s0 =	srdreg.scid;
	s4 =	rddreg [dreg:$0x1]  }
0x3: {  	s9 =	stileid.u32;
	s5 =	rddreg [dreg:$0x2];
	s3 =	simm.s32 $0x0  }
0x4: {  	s12 =	simm.s32 $0x1;
	s13 =	simm.s32 $0xE800;
	s16 =	simm.s32 $0x10000  }
0x5: {  	s17 =	simm.s32 $0x10800;
	s19 =	simm.s32 $0x11000;
	s20 =	simm.s32 $0x11800  }
0x6: {  	s21 =	simm.s32 $0x12000;
	s10 =	simm.s32 $0x15800;
	s28 =	simm.s32 $0x16000  }
0x7: {  	s29 =	simm.s32 $0x3;
	s30 =	simm.s32 $0x4;
	s31 =	simm.s32 $0x5  }
0x8: {  	s14 =	simm.s32 $0x0;
	s15 =	simm.s32 $0x6800;
	s6 =	smul.u32 $0x280000, s9  }
0x9: {  	s0 =	sand.u32 $0x1, s0;
	s2 =	sshll.u32 s9, $0x1;
	s25 =	smul.u32 $0x50000, s9  }
0xa: {  	[smem:$0x7FF] =	sst s3;
	s9 =	simm.s32 $0x15000;
	s8 =	smul.u32 $0x140000, s0  }
0xb: {  	s2 =	sor.u32 s0, s2;
	s7 =	ssub.s32 $0x2, s0;
	s0 =	smul.u32 $0x28000, s0  }
0xc: {  	_ =	strace $0x80000047;
	s2 =	smul.u32 $0x500, s2;
	s22 =	sshrl.u32 s7, $0x1  }
0xd: {  	s26 =	sadd.s32 s25, s5;
	s25 =	simm.s32 $0x13800;
	s23 =	sadd.s32 s8, s6  }
0xe: {  	s8 =	sadd.s32 s0, s26;
	s26 =	simm.s32 $0xA800;
	s2 =	sadd.s32 s2, s4  }
0xf: {  	s4 =	ssub.s32 s7, s22;
	s24 =	sor.u32 $0xC000, s23;
	s2 =	sadd.s32 $0x400, s2  }
.Ltmp0:
0x10: {  	s4 =	smax.u32 s4, $0x1;
	[dreg:$0x4] =	wrdreg s2;
	(pc) =	sbr.rel .LBB2_1-.Ltmp0, $4  }
0x11: {  	s22 =	simm.s32 $0x2;
	[dreg:$0x5] =	wrdreg s4;
	s4 =	sshrl.u32 s24, $0x3  }
0x12: {  	v2 =	vlaneseq.u32;
	s2 =	sor.u32 $0x10000, s23;
	s23 =	simm.s32 $0x12800;
	s24 =	simm.s32 $0x13000  }
0x13: {  	vm0 =	vmmov $0xffff;
	v1 =	vshrl.u32 v2, $0x3;
	s6 =	sadd.s32 s4, s5;
	s2 =	sshrl.u32 s2, $0x3;
	s4 =	simm.s32 $0x14000  }
0x14: {  	v0 =	vand.u32 $0x7, v2;
	v2 =	vor.u32 $0x8, v2;
	v1 =	vmul.u32 $0x8, v1;
	s7 =	sadd.s32 s2, s5;
	s5 =	simm.s32 $0x14800;
	s2 =	simm.s32 $0x8  }
.LBB2_4:
0x15: {  	s0 =	simm.s32 $0x6  }
0x16: {  	_ =	swait.ge [sflag:s0], $0x4000  }
0x17: {  	[sflag:s0] =	ssyncset.done $0x0  }
0x18: {  	s11 =	simm.s32 $0x7;
	[sflag:s0] =	ssyncadd.s32 $0xFFFFC000  }
0x19: {  	_ =	swait.ge [sflag:s11], $0x4000  }
0x1a: {  	[sflag:s11] =	ssyncset.done $0x0  }
0x1b: {  	[sflag:s11] =	ssyncadd.s32 $0xFFFFC000  }
0x1c: {  	_ =	swait.ge [sflag:s2], $0x4000  }
0x1d: {  	[sflag:s2] =	ssyncset.done $0x0  }
0x1e: {  	s14 =	simm.s32 $0x9;
	[sflag:s2] =	ssyncadd.s32 $0xFFFFC000  }
0x1f: {  	_ =	swait.ge [sflag:s14], $0x4000  }
0x20: {  	[sflag:s14] =	ssyncset.done $0x0  }
0x21: {  	s11 =	simm.s32 $0xA;
	[sflag:s14] =	ssyncadd.s32 $0xFFFFC000  }
0x22: {  	_ =	swait.ge [sflag:s11], $0x4000  }
0x23: {  	s14 =	rddreg [dreg:$0x6]  }
0x24: {  	s18 =	rddreg [dreg:$0x5];
	s14 =	sadd.s32 $0x1, s14  }
0x25: {  	p0 =	sne.s32 s14, s18  }
.Ltmp1:
0x26: {  	_ = 	snop;
	(pc) =	sbr.rel @!p0 .LBB2_5-.Ltmp1, $3  }
0x27: {  	_ =	sdelay $0x1  }
0x28: {  	[sflag:s11] =	ssyncset.done $0x0  }
0x29: {  	[sflag:s11] =	ssyncadd.s32 $0xFFFFC000  }
.LBB2_1:
0x2a: {  	[dreg:$0x6] =	wrdreg s14  }
0x2b: {  	s0 =	rddreg [dreg:$0x4];
	s11 =	simm.s32 $0xB  }
0x2c: {  	[tilespmem:s3], [sflag:$0xB] =	stream.linear.gather [hbm4b:s0+s3], $0x2800, $0x38;
	[tilespmem:$0x16800] =	vst v63  }
0x2d: {  	_ =	swait.ge [sflag:s11], $0x2800  }
0x2e: {  	[sflag:s11] =	ssyncset.done $0x0  }
0x2f: {  	[sflag:s11] =	ssyncadd.s32 $0xFFFFD800  }
0x30: {  	v3 =	vld [tilespmem:$0x0];
	_ =	sdelay $0x4  }
0x31: {  	v4 =	vshll.u32 v3, $0x1  }
0x32: {  	v3 =	vand.u32 $0x7, v3;
	v4 =	vand.u32 $0xFFFFFFF0, v4  }
0x33: {  	v3 =	vor.u32 v3, v4  }
0x34: {  	v4 =	vperm.xlane v3, v0;
	_ =	sdelay $0x1  }
0x35: {  	v3 =	vperm.xlane v3, v2;
	v4 =	vadd.s32 v1, v4;
	_ =	sdelay $0x1  }
0x36: {  	v3 =	vadd.s32 v1, v3;
	_ =	sdelay $0x1  }
0x37: {  	s14 =	simm.s32 $0x2800  }
0x38: {  	[tilespmem:s14], [sflag:$0x1] =	stream.indirect_vreg.gather [hbm4b:s1+s3], $0x80, v4, vm0, $0xb8;
	[tilespmem:$0x16800] =	vst v63  }
0x39: {  	s18 =	simm.s32 $0x3000  }
0x3a: {  	[tilespmem:s18], [sflag:$0x1] =	stream.indirect_vreg.gather [hbm4b:s1+s3], $0x80, v3, vm0, $0xb8;
	[tilespmem:$0x16800] =	vst v63  }
0x3b: {  	v3 =	vld [tilespmem:$0x10];
	_ =	sdelay $0x4  }
0x3c: {  	v53 =	vshll.u32 v3, $0x1  }
0x3d: {  	v3 =	vand.u32 $0x7, v3;
	v4 =	vand.u32 $0xFFFFFFF0, v53  }
0x3e: {  	v3 =	vor.u32 v3, v4  }
0x3f: {  	v4 =	vperm.xlane v3, v0;
	_ =	sdelay $0x1  }
0x40: {  	v3 =	vperm.xlane v3, v2;
	v4 =	vadd.s32 v1, v4;
	_ =	sdelay $0x1  }
0x41: {  	v3 =	vadd.s32 v1, v3;
	_ =	sdelay $0x1  }
0x42: {  	s11 =	simm.s32 $0x3800  }
0x43: {  	[tilespmem:s11], [sflag:$0x1] =	stream.indirect_vreg.gather [hbm4b:s1+s3], $0x80, v4, vm0, $0xb8;
	[tilespmem:$0x16800] =	vst v63  }
0x44: {  	s14 =	simm.s32 $0x4000  }
0x45: {  	[tilespmem:s14], [sflag:$0x1] =	stream.indirect_vreg.gather [hbm4b:s1+s3], $0x80, v3, vm0, $0xb8;
	[tilespmem:$0x16800] =	vst v63  }
0x46: {  	v3 =	vld [tilespmem:$0x20];
	_ =	sdelay $0x4  }
0x47: {  	v54 =	vshll.u32 v3, $0x1  }
0x48: {  	v3 =	vand.u32 $0x7, v3;
	v4 =	vand.u32 $0xFFFFFFF0, v54  }
0x49: {  	v3 =	vor.u32 v3, v4  }
0x4a: {  	v4 =	vperm.xlane v3, v0;
	_ =	sdelay $0x1  }
0x4b: {  	v3 =	vperm.xlane v3, v2;
	v4 =	vadd.s32 v1, v4;
	_ =	sdelay $0x1  }
0x4c: {  	v3 =	vadd.s32 v1, v3;
	_ =	sdelay $0x1  }
0x4d: {  	s18 =	simm.s32 $0x4800  }
0x4e: {  	[tilespmem:s18], [sflag:$0x1] =	stream.indirect_vreg.gather [hbm4b:s1+s3], $0x80, v4, vm0, $0xb8;
	[tilespmem:$0x16800] =	vst v63  }
0x4f: {  	s11 =	simm.s32 $0x5000  }
0x50: {  	[tilespmem:s11], [sflag:$0x1] =	stream.indirect_vreg.gather [hbm4b:s1+s3], $0x80, v3, vm0, $0xb8;
	[tilespmem:$0x16800] =	vst v63  }
0x51: {  	v3 =	vld [tilespmem:$0x30];
	_ =	sdelay $0x4  }
0x52: {  	v55 =	vshll.u32 v3, $0x1  }
0x53: {  	v3 =	vand.u32 $0x7, v3;
	v4 =	vand.u32 $0xFFFFFFF0, v55  }
0x54: {  	v3 =	vor.u32 v3, v4  }
0x55: {  	v4 =	vperm.xlane v3, v0;
	_ =	sdelay $0x1  }
0x56: {  	v3 =	vperm.xlane v3, v2;
	v4 =	vadd.s32 v1, v4;
	_ =	sdelay $0x1  }
0x57: {  	v3 =	vadd.s32 v1, v3;
	_ =	sdelay $0x1  }
0x58: {  	s14 =	simm.s32 $0x5800  }
0x59: {  	[tilespmem:s14], [sflag:$0x1] =	stream.indirect_vreg.gather [hbm4b:s1+s3], $0x80, v4, vm0, $0xb8;
	[tilespmem:$0x16800] =	vst v63  }
0x5a: {  	s18 =	simm.s32 $0x6000  }
0x5b: {  	[tilespmem:s18], [sflag:$0x1] =	stream.indirect_vreg.gather [hbm4b:s1+s3], $0x80, v3, vm0, $0xb8;
	[tilespmem:$0x16800] =	vst v63  }
0x5c: {  	v3 =	vld [tilespmem:$0x80];
	_ =	sdelay $0x4  }
0x5d: {  	v56 =	vshll.u32 v3, $0x1  }
0x5e: {  	v3 =	vand.u32 $0x7, v3;
	v4 =	vand.u32 $0xFFFFFFF0, v56  }
0x5f: {  	v3 =	vor.u32 v3, v4  }
0x60: {  	v4 =	vperm.xlane v3, v0;
	_ =	sdelay $0x1  }
0x61: {  	v3 =	vperm.xlane v3, v2;
	v4 =	vadd.s32 v1, v4;
	_ =	sdelay $0x1  }
0x62: {  	v3 =	vadd.s32 v1, v3;
	_ =	sdelay $0x1  }
0x63: {  	s11 =	simm.s32 $0x6800  }
0x64: {  	[tilespmem:s11], [sflag:$0x2] =	stream.indirect_vreg.gather [hbm4b:s1+s3], $0x80, v4, vm0, $0xb8;
	[tilespmem:$0x16800] =	vst v63  }
0x65: {  	s14 =	simm.s32 $0x7000  }
0x66: {  	[tilespmem:s14], [sflag:$0x2] =	stream.indirect_vreg.gather [hbm4b:s1+s3], $0x80, v3, vm0, $0xb8;
	[tilespmem:$0x16800] =	vst v63  }
0x67: {  	v3 =	vld [tilespmem:$0x90];
	_ =	sdelay $0x4  }
0x68: {  	v57 =	vshll.u32 v3, $0x1  }
0x69: {  	v3 =	vand.u32 $0x7, v3;
	v4 =	vand.u32 $0xFFFFFFF0, v57  }
0x6a: {  	v3 =	vor.u32 v3, v4  }
0x6b: {  	v4 =	vperm.xlane v3, v0;
	_ =	sdelay $0x1  }
0x6c: {  	v3 =	vperm.xlane v3, v2;
	v4 =	vadd.s32 v1, v4;
	_ =	sdelay $0x1  }
0x6d: {  	v3 =	vadd.s32 v1, v3;
	_ =	sdelay $0x1  }
0x6e: {  	s18 =	simm.s32 $0x7800  }
0x6f: {  	[tilespmem:s18], [sflag:$0x2] =	stream.indirect_vreg.gather [hbm4b:s1+s3], $0x80, v4, vm0, $0xb8;
	[tilespmem:$0x16800] =	vst v63  }
0x70: {  	s11 =	simm.s32 $0x8000  }
0x71: {  	[tilespmem:s11], [sflag:$0x2] =	stream.indirect_vreg.gather [hbm4b:s1+s3], $0x80, v3, vm0, $0xb8;
	[tilespmem:$0x16800] =	vst v63  }
0x72: {  	v3 =	vld [tilespmem:$0xA0];
	_ =	sdelay $0x4  }
0x73: {  	v58 =	vshll.u32 v3, $0x1  }
0x74: {  	v3 =	vand.u32 $0x7, v3;
	v4 =	vand.u32 $0xFFFFFFF0, v58  }
0x75: {  	v3 =	vor.u32 v3, v4  }
0x76: {  	v4 =	vperm.xlane v3, v0;
	_ =	sdelay $0x1  }
0x77: {  	v3 =	vperm.xlane v3, v2;
	v4 =	vadd.s32 v1, v4;
	_ =	sdelay $0x1  }
0x78: {  	v3 =	vadd.s32 v1, v3;
	_ =	sdelay $0x1  }
0x79: {  	s14 =	simm.s32 $0x8800  }
0x7a: {  	[tilespmem:s14], [sflag:$0x2] =	stream.indirect_vreg.gather [hbm4b:s1+s3], $0x80, v4, vm0, $0xb8;
	[tilespmem:$0x16800] =	vst v63  }
0x7b: {  	s18 =	simm.s32 $0x9000  }
0x7c: {  	[tilespmem:s18], [sflag:$0x2] =	stream.indirect_vreg.gather [hbm4b:s1+s3], $0x80, v3, vm0, $0xb8;
	[tilespmem:$0x16800] =	vst v63  }
0x7d: {  	v3 =	vld [tilespmem:$0xB0];
	_ =	sdelay $0x4  }
0x7e: {  	v59 =	vshll.u32 v3, $0x1  }
0x7f: {  	v3 =	vand.u32 $0x7, v3;
	v4 =	vand.u32 $0xFFFFFFF0, v59  }
0x80: {  	v3 =	vor.u32 v3, v4  }
0x81: {  	v4 =	vperm.xlane v3, v0;
	_ =	sdelay $0x1  }
0x82: {  	v3 =	vperm.xlane v3, v2;
	v4 =	vadd.s32 v1, v4;
	_ =	sdelay $0x1  }
0x83: {  	v3 =	vadd.s32 v1, v3;
	_ =	sdelay $0x1  }
0x84: {  	s11 =	simm.s32 $0x9800  }
0x85: {  	[tilespmem:s11], [sflag:$0x2] =	stream.indirect_vreg.gather [hbm4b:s1+s3], $0x80, v4, vm0, $0xb8;
	[tilespmem:$0x16800] =	vst v63  }
0x86: {  	s14 =	simm.s32 $0xA000  }
0x87: {  	[tilespmem:s14], [sflag:$0x2] =	stream.indirect_vreg.gather [hbm4b:s1+s3], $0x80, v3, vm0, $0xb8;
	[tilespmem:$0x16800] =	vst v63  }
0x88: {  	v3 =	vld [tilespmem:$0x100];
	_ =	sdelay $0x4  }
0x89: {  	v60 =	vshll.u32 v3, $0x1  }
0x8a: {  	v3 =	vand.u32 $0x7, v3;
	v4 =	vand.u32 $0xFFFFFFF0, v60  }
0x8b: {  	v3 =	vor.u32 v3, v4  }
0x8c: {  	v4 =	vperm.xlane v3, v0;
	_ =	sdelay $0x1  }
0x8d: {  	v3 =	vperm.xlane v3, v2;
	v4 =	vadd.s32 v1, v4;
	_ =	sdelay $0x1  }
0x8e: {  	v3 =	vadd.s32 v1, v3;
	_ =	sdelay $0x2  }
0x8f: {  	[tilespmem:s26], [sflag:$0x3] =	stream.indirect_vreg.gather [hbm4b:s1+s3], $0x80, v4, vm0, $0xb8;
	[tilespmem:$0x16800] =	vst v63  }
0x90: {  	s18 =	simm.s32 $0xB000  }
0x91: {  	[tilespmem:s18], [sflag:$0x3] =	stream.indirect_vreg.gather [hbm4b:s1+s3], $0x80, v3, vm0, $0xb8;
	[tilespmem:$0x16800] =	vst v63  }
0x92: {  	v3 =	vld [tilespmem:$0x110];
	_ =	sdelay $0x4  }
0x93: {  	v61 =	vshll.u32 v3, $0x1  }
0x94: {  	v3 =	vand.u32 $0x7, v3;
	v4 =	vand.u32 $0xFFFFFFF0, v61  }
0x95: {  	v3 =	vor.u32 v3, v4  }
0x96: {  	v4 =	vperm.xlane v3, v0;
	_ =	sdelay $0x1  }
0x97: {  	v3 =	vperm.xlane v3, v2;
	v4 =	vadd.s32 v1, v4;
	_ =	sdelay $0x1  }
0x98: {  	v3 =	vadd.s32 v1, v3;
	_ =	sdelay $0x1  }
0x99: {  	s11 =	simm.s32 $0xB800  }
0x9a: {  	[tilespmem:s11], [sflag:$0x3] =	stream.indirect_vreg.gather [hbm4b:s1+s3], $0x80, v4, vm0, $0xb8;
	[tilespmem:$0x16800] =	vst v63  }
0x9b: {  	s14 =	simm.s32 $0xC000  }
0x9c: {  	[tilespmem:s14], [sflag:$0x3] =	stream.indirect_vreg.gather [hbm4b:s1+s3], $0x80, v3, vm0, $0xb8;
	[tilespmem:$0x16800] =	vst v63  }
0x9d: {  	v3 =	vld [tilespmem:$0x120];
	_ =	sdelay $0x4  }
0x9e: {  	v62 =	vshll.u32 v3, $0x1  }
0x9f: {  	v3 =	vand.u32 $0x7, v3;
	v4 =	vand.u32 $0xFFFFFFF0, v62  }
0xa0: {  	v3 =	vor.u32 v3, v4  }
0xa1: {  	v4 =	vperm.xlane v3, v0;
	_ =	sdelay $0x1  }
0xa2: {  	v3 =	vperm.xlane v3, v2;
	v4 =	vadd.s32 v1, v4;
	_ =	sdelay $0x1  }
0xa3: {  	v3 =	vadd.s32 v1, v3;
	_ =	sdelay $0x1  }
0xa4: {  	s18 =	simm.s32 $0xC800  }
0xa5: {  	[tilespmem:s18], [sflag:$0x3] =	stream.indirect_vreg.gather [hbm4b:s1+s3], $0x80, v4, vm0, $0xb8;
	[tilespmem:$0x16800] =	vst v63  }
0xa6: {  	s11 =	simm.s32 $0xD000  }
0xa7: {  	[tilespmem:s11], [sflag:$0x3] =	stream.indirect_vreg.gather [hbm4b:s1+s3], $0x80, v3, vm0, $0xb8;
	[tilespmem:$0x16800] =	vst v63  }
0xa8: {  	v3 =	vld [tilespmem:$0x130];
	_ =	sdelay $0x4  }
0xa9: {  	v63 =	vshll.u32 v3, $0x1  }
0xaa: {  	v3 =	vand.u32 $0x7, v3;
	v4 =	vand.u32 $0xFFFFFFF0, v63  }
0xab: {  	v3 =	vor.u32 v3, v4  }
0xac: {  	v4 =	vperm.xlane v3, v0;
	_ =	sdelay $0x1  }
0xad: {  	v3 =	vperm.xlane v3, v2;
	v4 =	vadd.s32 v1, v4;
	_ =	sdelay $0x1  }
0xae: {  	v3 =	vadd.s32 v1, v3;
	_ =	sdelay $0x1  }
0xaf: {  	s14 =	simm.s32 $0xD800  }
0xb0: {  	[tilespmem:s14], [sflag:$0x3] =	stream.indirect_vreg.gather [hbm4b:s1+s3], $0x80, v4, vm0, $0xb8;
	[tilespmem:$0x16800] =	vst v63  }
0xb1: {  	s0 =	simm.s32 $0x200;
	s18 =	simm.s32 $0xE000;
	s11 =	simm.s32 $0x0  }
0xb2: {  	[tilespmem:s18], [sflag:$0x3] =	stream.indirect_vreg.gather [hbm4b:s1+s3], $0x80, v3, vm0, $0xb8;
	[tilespmem:$0x16800] =	vst v63  }
.LBB2_2:
0xb3: {  	_ =	swait.ge [sflag:s12], $0x4000  }
0xb4: {  	s18 =	sadd.s32 s11, s8;
	[sflag:s12] =	ssyncset.done $0x0  }
0xb5: {  	s14 =	simm.s32 $0x2800;
	p0 =	seq.s32 s11, $0x0;
	[sflag:s12] =	ssyncadd.s32 $0xFFFFC000  }
0xb6: {  	[hbm4b:s18+s3] =	stream.linear.scatter [tilespmem:s14], [sflag:$0x6], $0x4000, $0x38;
	[tilespmem:$0x16800] =	vst v63  }
0xb7: {  	s14 =	simm.s32 @!p0 $0x9  }
0xb8: {  	_ =	swait.ge @!p0 [sflag:s14], $0x4000  }
0xb9: {  	[sflag:s14] =	ssyncset.done @!p0 $0x0  }
0xba: {  	[sflag:s14] =	ssyncadd.s32 @!p0 $0xFFFFC000  }
0xbb: {  	v3 =	vld [tilespmem:s0+$0xFFFFFF80];
	_ =	sdelay $0x4  }
0xbc: {  	v4 =	vshll.u32 v3, $0x1  }
0xbd: {  	v3 =	vand.u32 $0x7, v3;
	v4 =	vand.u32 $0xFFFFFFF0, v4  }
0xbe: {  	v3 =	vor.u32 v3, v4  }
0xbf: {  	v4 =	vperm.xlane v3, v0;
	_ =	sdelay $0x1  }
0xc0: {  	v3 =	vperm.xlane v3, v2;
	v4 =	vadd.s32 v1, v4;
	_ =	sdelay $0x1  }
0xc1: {  	v3 =	vadd.s32 v1, v3;
	_ =	sdelay $0x2  }
0xc2: {  	[tilespmem:s13], [sflag:$0x4] =	stream.indirect_vreg.gather [hbm4b:s1+s3], $0x80, v4, vm0, $0xb8;
	[tilespmem:$0x16800] =	vst v63  }
0xc3: {  	s14 =	simm.s32 $0xF000  }
0xc4: {  	[tilespmem:s14], [sflag:$0x4] =	stream.indirect_vreg.gather [hbm4b:s1+s3], $0x80, v3, vm0, $0xb8;
	[tilespmem:$0x16800] =	vst v63  }
0xc5: {  	v3 =	vld [tilespmem:s0+$0xFFFFFF90];
	_ =	sdelay $0x4  }
0xc6: {  	v57 =	vshll.u32 v3, $0x1  }
0xc7: {  	v3 =	vand.u32 $0x7, v3;
	v4 =	vand.u32 $0xFFFFFFF0, v57  }
0xc8: {  	v3 =	vor.u32 v3, v4  }
0xc9: {  	v4 =	vperm.xlane v3, v0;
	_ =	sdelay $0x1  }
0xca: {  	v3 =	vperm.xlane v3, v2;
	v4 =	vadd.s32 v1, v4;
	_ =	sdelay $0x1  }
0xcb: {  	v3 =	vadd.s32 v1, v3;
	_ =	sdelay $0x1  }
0xcc: {  	s14 =	simm.s32 $0xF800  }
0xcd: {  	[tilespmem:s14], [sflag:$0x4] =	stream.indirect_vreg.gather [hbm4b:s1+s3], $0x80, v4, vm0, $0xb8;
	[tilespmem:$0x16800] =	vst v63  }
0xce: {  	_ = 	snop  }
0xcf: {  	[tilespmem:s16], [sflag:$0x4] =	stream.indirect_vreg.gather [hbm4b:s1+s3], $0x80, v3, vm0, $0xb8;
	[tilespmem:$0x16800] =	vst v63  }
0xd0: {  	v3 =	vld [tilespmem:s0+$0xFFFFFFA0];
	_ =	sdelay $0x4  }
0xd1: {  	v58 =	vshll.u32 v3, $0x1  }
0xd2: {  	v3 =	vand.u32 $0x7, v3;
	v4 =	vand.u32 $0xFFFFFFF0, v58  }
0xd3: {  	v3 =	vor.u32 v3, v4  }
0xd4: {  	v4 =	vperm.xlane v3, v0;
	_ =	sdelay $0x1  }
0xd5: {  	v3 =	vperm.xlane v3, v2;
	v4 =	vadd.s32 v1, v4;
	_ =	sdelay $0x1  }
0xd6: {  	v3 =	vadd.s32 v1, v3;
	_ =	sdelay $0x2  }
0xd7: {  	[tilespmem:s17], [sflag:$0x4] =	stream.indirect_vreg.gather [hbm4b:s1+s3], $0x80, v4, vm0, $0xb8;
	[tilespmem:$0x16800] =	vst v63  }
0xd8: {  	_ = 	snop  }
0xd9: {  	[tilespmem:s19], [sflag:$0x4] =	stream.indirect_vreg.gather [hbm4b:s1+s3], $0x80, v3, vm0, $0xb8;
	[tilespmem:$0x16800] =	vst v63  }
0xda: {  	v3 =	vld [tilespmem:s0+$0xFFFFFFB0];
	_ =	sdelay $0x4  }
0xdb: {  	v59 =	vshll.u32 v3, $0x1  }
0xdc: {  	v3 =	vand.u32 $0x7, v3;
	v4 =	vand.u32 $0xFFFFFFF0, v59  }
0xdd: {  	v3 =	vor.u32 v3, v4  }
0xde: {  	v4 =	vperm.xlane v3, v0;
	_ =	sdelay $0x1  }
0xdf: {  	v3 =	vperm.xlane v3, v2;
	v4 =	vadd.s32 v1, v4;
	_ =	sdelay $0x1  }
0xe0: {  	v3 =	vadd.s32 v1, v3;
	_ =	sdelay $0x2  }
0xe1: {  	[tilespmem:s20], [sflag:$0x4] =	stream.indirect_vreg.gather [hbm4b:s1+s3], $0x80, v4, vm0, $0xb8;
	[tilespmem:$0x16800] =	vst v63  }
0xe2: {  	_ = 	snop  }
0xe3: {  	[tilespmem:s21], [sflag:$0x4] =	stream.indirect_vreg.gather [hbm4b:s1+s3], $0x80, v3, vm0, $0xb8;
	[tilespmem:$0x16800] =	vst v63  }
0xe4: {  	_ =	swait.ge [sflag:s22], $0x4000  }
0xe5: {  	[sflag:s22] =	ssyncset.done $0x0  }
0xe6: {  	s14 =	sadd.s32 $0x800, s18;
	[sflag:s22] =	ssyncadd.s32 $0xFFFFC000  }
0xe7: {  	[hbm4b:s14+s3] =	stream.linear.scatter [tilespmem:s15], [sflag:$0x7], $0x4000, $0x38;
	[tilespmem:$0x16800] =	vst v63  }
0xe8: {  	s14 =	simm.s32 @!p0 $0xA  }
0xe9: {  	_ =	swait.ge @!p0 [sflag:s14], $0x4000  }
0xea: {  	[sflag:s14] =	ssyncset.done @!p0 $0x0  }
0xeb: {  	[sflag:s14] =	ssyncadd.s32 @!p0 $0xFFFFC000  }
0xec: {  	v3 =	vld [tilespmem:s0+$0x0];
	_ =	sdelay $0x4  }
0xed: {  	v60 =	vshll.u32 v3, $0x1  }
0xee: {  	v3 =	vand.u32 $0x7, v3;
	v4 =	vand.u32 $0xFFFFFFF0, v60  }
0xef: {  	v3 =	vor.u32 v3, v4  }
0xf0: {  	v4 =	vperm.xlane v3, v0;
	_ =	sdelay $0x1  }
0xf1: {  	v3 =	vperm.xlane v3, v2;
	v4 =	vadd.s32 v1, v4;
	_ =	sdelay $0x1  }
0xf2: {  	v3 =	vadd.s32 v1, v3;
	_ =	sdelay $0x2  }
0xf3: {  	[tilespmem:s23], [sflag:$0x5] =	stream.indirect_vreg.gather [hbm4b:s1+s3], $0x80, v4, vm0, $0xb8;
	[tilespmem:$0x16800] =	vst v63  }
0xf4: {  	_ = 	snop  }
0xf5: {  	[tilespmem:s24], [sflag:$0x5] =	stream.indirect_vreg.gather [hbm4b:s1+s3], $0x80, v3, vm0, $0xb8;
	[tilespmem:$0x16800] =	vst v63  }
0xf6: {  	v3 =	vld [tilespmem:s0+$0x10];
	_ =	sdelay $0x4  }
0xf7: {  	v61 =	vshll.u32 v3, $0x1  }
0xf8: {  	v3 =	vand.u32 $0x7, v3;
	v4 =	vand.u32 $0xFFFFFFF0, v61  }
0xf9: {  	v3 =	vor.u32 v3, v4  }
0xfa: {  	v4 =	vperm.xlane v3, v0;
	_ =	sdelay $0x1  }
0xfb: {  	v3 =	vperm.xlane v3, v2;
	v4 =	vadd.s32 v1, v4;
	_ =	sdelay $0x1  }
0xfc: {  	v3 =	vadd.s32 v1, v3;
	_ =	sdelay $0x2  }
0xfd: {  	[tilespmem:s25], [sflag:$0x5] =	stream.indirect_vreg.gather [hbm4b:s1+s3], $0x80, v4, vm0, $0xb8;
	[tilespmem:$0x16800] =	vst v63  }
0xfe: {  	_ = 	snop  }
0xff: {  	[tilespmem:s4], [sflag:$0x5] =	stream.indirect_vreg.gather [hbm4b:s1+s3], $0x80, v3, vm0, $0xb8;
	[tilespmem:$0x16800] =	vst v63  }
0x100: {  	v3 =	vld [tilespmem:s0+$0x20];
	_ =	sdelay $0x4  }
0x101: {  	v62 =	vshll.u32 v3, $0x1  }
0x102: {  	v3 =	vand.u32 $0x7, v3;
	v4 =	vand.u32 $0xFFFFFFF0, v62  }
0x103: {  	v3 =	vor.u32 v3, v4  }
0x104: {  	v4 =	vperm.xlane v3, v0;
	_ =	sdelay $0x1  }
0x105: {  	v3 =	vperm.xlane v3, v2;
	v4 =	vadd.s32 v1, v4;
	_ =	sdelay $0x1  }
0x106: {  	v3 =	vadd.s32 v1, v3;
	_ =	sdelay $0x2  }
0x107: {  	[tilespmem:s5], [sflag:$0x5] =	stream.indirect_vreg.gather [hbm4b:s1+s3], $0x80, v4, vm0, $0xb8;
	[tilespmem:$0x16800] =	vst v63  }
0x108: {  	_ = 	snop  }
0x109: {  	[tilespmem:s9], [sflag:$0x5] =	stream.indirect_vreg.gather [hbm4b:s1+s3], $0x80, v3, vm0, $0xb8;
	[tilespmem:$0x16800] =	vst v63  }
0x10a: {  	v3 =	vld [tilespmem:s0+$0x30];
	_ =	sdelay $0x4  }
0x10b: {  	v63 =	vshll.u32 v3, $0x1  }
0x10c: {  	v3 =	vand.u32 $0x7, v3;
	v4 =	vand.u32 $0xFFFFFFF0, v63  }
0x10d: {  	v3 =	vor.u32 v3, v4  }
0x10e: {  	v4 =	vperm.xlane v3, v0;
	_ =	sdelay $0x1  }
0x10f: {  	v3 =	vperm.xlane v3, v2;
	v4 =	vadd.s32 v1, v4;
	_ =	sdelay $0x1  }
0x110: {  	v3 =	vadd.s32 v1, v3;
	_ =	sdelay $0x2  }
0x111: {  	[tilespmem:s10], [sflag:$0x5] =	stream.indirect_vreg.gather [hbm4b:s1+s3], $0x80, v4, vm0, $0xb8;
	[tilespmem:$0x16800] =	vst v63  }
0x112: {  	_ = 	snop  }
0x113: {  	[tilespmem:s28], [sflag:$0x5] =	stream.indirect_vreg.gather [hbm4b:s1+s3], $0x80, v3, vm0, $0xb8;
	[tilespmem:$0x16800] =	vst v63  }
0x114: {  	_ =	swait.ge [sflag:s29], $0x4000  }
0x115: {  	p0 =	seq.s32 s11, $0x25800;
	[sflag:s29] =	ssyncset.done $0x0  }
0x116: {  	s18 =	sadd.s32 $0x1000, s18;
	s14 =	simm.s32 @!p0 $0x6;
	[sflag:s29] =	ssyncadd.s32 $0xFFFFC000  }
0x117: {  	[hbm4b:s18+s3] =	stream.linear.scatter [tilespmem:s26], [sflag:$0x8], $0x4000, $0x38;
	[tilespmem:$0x16800] =	vst v63  }
0x118: {  	_ =	swait.ge @!p0 [sflag:s14], $0x4000  }
0x119: {  	[sflag:s14] =	ssyncset.done @!p0 $0x0  }
0x11a: {  	[sflag:s14] =	ssyncadd.s32 @!p0 $0xFFFFC000  }
0x11b: {  	v3 =	vld @!p0 [tilespmem:s0+$0x80];
	_ =	sdelay $0x4  }
0x11c: {  	v4 =	vshll.u32 @!p0 v3, $0x1  }
0x11d: {  	v5 =	vlaneseq.u32 @!p0;
	v3 =	vand.u32 @!p0 $0x7, v3;
	v4 =	vand.u32 @!p0 $0xFFFFFFF0, v4  }
0x11e: {  	v6 =	vshrl.u32 @!p0 v5, $0x3;
	v3 =	vor.u32 @!p0 v3, v4;
	v4 =	vand.u32 @!p0 $0x7, v5  }
0x11f: {  	v6 =	vmul.u32 @!p0 $0x8, v6;
	v7 =	vperm.xlane @!p0 v3, v4  }
0x120: {  	v5 =	vor.u32 @!p0 $0x8, v5  }
0x121: {  	v3 =	vperm.xlane @!p0 v3, v5;
	v7 =	vadd.s32 @!p0 v6, v7;
	_ =	sdelay $0x1  }
0x122: {  	v3 =	vadd.s32 @!p0 v6, v3;
	_ =	sdelay $0x1  }
0x123: {  	vm1 =	vmmov @!p0 $0xffff;
	s18 =	simm.s32 @!p0 $0x0;
	s14 =	simm.s32 @!p0 $0x2800  }
0x124: {  	[tilespmem:s14], [sflag:$0x1] =	stream.indirect_vreg.gather @!p0 [hbm4b:s1+s18], $0x80, v7, vm1, $0xb8;
	[tilespmem:$0x16800] =	vst v63  }
0x125: {  	s14 =	simm.s32 @!p0 $0x3000  }
0x126: {  	[tilespmem:s14], [sflag:$0x1] =	stream.indirect_vreg.gather @!p0 [hbm4b:s1+s18], $0x80, v3, vm1, $0xb8;
	[tilespmem:$0x16800] =	vst v63  }
0x127: {  	v3 =	vld @!p0 [tilespmem:s0+$0x90];
	_ =	sdelay $0x4  }
0x128: {  	v7 =	vshll.u32 @!p0 v3, $0x1  }
0x129: {  	v3 =	vand.u32 @!p0 $0x7, v3;
	v7 =	vand.u32 @!p0 $0xFFFFFFF0, v7  }
0x12a: {  	v3 =	vor.u32 @!p0 v3, v7  }
0x12b: {  	v7 =	vperm.xlane @!p0 v3, v4;
	_ =	sdelay $0x1  }
0x12c: {  	v3 =	vperm.xlane @!p0 v3, v5;
	v7 =	vadd.s32 @!p0 v6, v7;
	_ =	sdelay $0x1  }
0x12d: {  	v3 =	vadd.s32 @!p0 v6, v3;
	_ =	sdelay $0x1  }
0x12e: {  	s14 =	simm.s32 @!p0 $0x3800  }
0x12f: {  	[tilespmem:s14], [sflag:$0x1] =	stream.indirect_vreg.gather @!p0 [hbm4b:s1+s18], $0x80, v7, vm1, $0xb8;
	[tilespmem:$0x16800] =	vst v63  }
0x130: {  	s14 =	simm.s32 @!p0 $0x4000  }
0x131: {  	[tilespmem:s14], [sflag:$0x1] =	stream.indirect_vreg.gather @!p0 [hbm4b:s1+s18], $0x80, v3, vm1, $0xb8;
	[tilespmem:$0x16800] =	vst v63  }
0x132: {  	v3 =	vld @!p0 [tilespmem:s0+$0xA0];
	_ =	sdelay $0x4  }
0x133: {  	v7 =	vshll.u32 @!p0 v3, $0x1  }
0x134: {  	v3 =	vand.u32 @!p0 $0x7, v3;
	v7 =	vand.u32 @!p0 $0xFFFFFFF0, v7  }
0x135: {  	v3 =	vor.u32 @!p0 v3, v7  }
0x136: {  	v7 =	vperm.xlane @!p0 v3, v4;
	_ =	sdelay $0x1  }
0x137: {  	v3 =	vperm.xlane @!p0 v3, v5;
	v7 =	vadd.s32 @!p0 v6, v7;
	_ =	sdelay $0x1  }
0x138: {  	v3 =	vadd.s32 @!p0 v6, v3;
	_ =	sdelay $0x1  }
0x139: {  	s14 =	simm.s32 @!p0 $0x4800  }
0x13a: {  	[tilespmem:s14], [sflag:$0x1] =	stream.indirect_vreg.gather @!p0 [hbm4b:s1+s18], $0x80, v7, vm1, $0xb8;
	[tilespmem:$0x16800] =	vst v63  }
0x13b: {  	s14 =	simm.s32 @!p0 $0x5000  }
0x13c: {  	[tilespmem:s14], [sflag:$0x1] =	stream.indirect_vreg.gather @!p0 [hbm4b:s1+s18], $0x80, v3, vm1, $0xb8;
	[tilespmem:$0x16800] =	vst v63  }
0x13d: {  	v3 =	vld @!p0 [tilespmem:s0+$0xB0];
	_ =	sdelay $0x4  }
0x13e: {  	v7 =	vshll.u32 @!p0 v3, $0x1  }
0x13f: {  	v3 =	vand.u32 @!p0 $0x7, v3;
	v7 =	vand.u32 @!p0 $0xFFFFFFF0, v7  }
0x140: {  	v3 =	vor.u32 @!p0 v3, v7  }
0x141: {  	v7 =	vperm.xlane @!p0 v3, v4;
	_ =	sdelay $0x1  }
0x142: {  	v3 =	vperm.xlane @!p0 v3, v5;
	v7 =	vadd.s32 @!p0 v6, v7;
	_ =	sdelay $0x1  }
0x143: {  	v3 =	vadd.s32 @!p0 v6, v3;
	_ =	sdelay $0x1  }
0x144: {  	s14 =	simm.s32 @!p0 $0x5800  }
0x145: {  	[tilespmem:s14], [sflag:$0x1] =	stream.indirect_vreg.gather @!p0 [hbm4b:s1+s18], $0x80, v7, vm1, $0xb8;
	[tilespmem:$0x16800] =	vst v63  }
0x146: {  	s14 =	simm.s32 @!p0 $0x6000  }
0x147: {  	[tilespmem:s14], [sflag:$0x1] =	stream.indirect_vreg.gather @!p0 [hbm4b:s1+s18], $0x80, v3, vm1, $0xb8;
	[tilespmem:$0x16800] =	vst v63  }
0x148: {  	_ =	swait.ge [sflag:s30], $0x4000  }
0x149: {  	[sflag:s30] =	ssyncset.done $0x0  }
0x14a: {  	s14 =	sadd.s32 s11, s6;
	[sflag:s30] =	ssyncadd.s32 $0xFFFFC000  }
0x14b: {  	[hbm4b:s14+s3] =	stream.linear.scatter [tilespmem:s13], [sflag:$0x9], $0x4000, $0x38;
	[tilespmem:$0x16800] =	vst v63  }
0x14c: {  	s14 =	simm.s32 @!p0 $0x7  }
0x14d: {  	_ =	swait.ge @!p0 [sflag:s14], $0x4000  }
0x14e: {  	[sflag:s14] =	ssyncset.done @!p0 $0x0  }
0x14f: {  	[sflag:s14] =	ssyncadd.s32 @!p0 $0xFFFFC000  }
0x150: {  	v3 =	vld @!p0 [tilespmem:s0+$0x100];
	_ =	sdelay $0x4  }
0x151: {  	v7 =	vshll.u32 @!p0 v3, $0x1  }
0x152: {  	v3 =	vand.u32 @!p0 $0x7, v3;
	v7 =	vand.u32 @!p0 $0xFFFFFFF0, v7  }
0x153: {  	v3 =	vor.u32 @!p0 v3, v7  }
0x154: {  	v7 =	vperm.xlane @!p0 v3, v4;
	_ =	sdelay $0x1  }
0x155: {  	v3 =	vperm.xlane @!p0 v3, v5;
	v7 =	vadd.s32 @!p0 v6, v7;
	_ =	sdelay $0x1  }
0x156: {  	v3 =	vadd.s32 @!p0 v6, v3;
	_ =	sdelay $0x1  }
0x157: {  	s14 =	simm.s32 @!p0 $0x6800  }
0x158: {  	[tilespmem:s14], [sflag:$0x2] =	stream.indirect_vreg.gather @!p0 [hbm4b:s1+s18], $0x80, v7, vm1, $0xb8;
	[tilespmem:$0x16800] =	vst v63  }
0x159: {  	s14 =	simm.s32 @!p0 $0x7000  }
0x15a: {  	[tilespmem:s14], [sflag:$0x2] =	stream.indirect_vreg.gather @!p0 [hbm4b:s1+s18], $0x80, v3, vm1, $0xb8;
	[tilespmem:$0x16800] =	vst v63  }
0x15b: {  	v3 =	vld @!p0 [tilespmem:s0+$0x110];
	_ =	sdelay $0x4  }
0x15c: {  	v7 =	vshll.u32 @!p0 v3, $0x1  }
0x15d: {  	v3 =	vand.u32 @!p0 $0x7, v3;
	v7 =	vand.u32 @!p0 $0xFFFFFFF0, v7  }
0x15e: {  	v3 =	vor.u32 @!p0 v3, v7  }
0x15f: {  	v7 =	vperm.xlane @!p0 v3, v4;
	_ =	sdelay $0x1  }
0x160: {  	v3 =	vperm.xlane @!p0 v3, v5;
	v7 =	vadd.s32 @!p0 v6, v7;
	_ =	sdelay $0x1  }
0x161: {  	v3 =	vadd.s32 @!p0 v6, v3;
	_ =	sdelay $0x1  }
0x162: {  	s14 =	simm.s32 @!p0 $0x7800  }
0x163: {  	[tilespmem:s14], [sflag:$0x2] =	stream.indirect_vreg.gather @!p0 [hbm4b:s1+s18], $0x80, v7, vm1, $0xb8;
	[tilespmem:$0x16800] =	vst v63  }
0x164: {  	s14 =	simm.s32 @!p0 $0x8000  }
0x165: {  	[tilespmem:s14], [sflag:$0x2] =	stream.indirect_vreg.gather @!p0 [hbm4b:s1+s18], $0x80, v3, vm1, $0xb8;
	[tilespmem:$0x16800] =	vst v63  }
0x166: {  	v3 =	vld @!p0 [tilespmem:s0+$0x120];
	_ =	sdelay $0x4  }
0x167: {  	v7 =	vshll.u32 @!p0 v3, $0x1  }
0x168: {  	v3 =	vand.u32 @!p0 $0x7, v3;
	v7 =	vand.u32 @!p0 $0xFFFFFFF0, v7  }
0x169: {  	v3 =	vor.u32 @!p0 v3, v7  }
0x16a: {  	v7 =	vperm.xlane @!p0 v3, v4;
	_ =	sdelay $0x1  }
0x16b: {  	v3 =	vperm.xlane @!p0 v3, v5;
	v7 =	vadd.s32 @!p0 v6, v7;
	_ =	sdelay $0x1  }
0x16c: {  	v3 =	vadd.s32 @!p0 v6, v3;
	_ =	sdelay $0x1  }
0x16d: {  	s14 =	simm.s32 @!p0 $0x8800  }
0x16e: {  	[tilespmem:s14], [sflag:$0x2] =	stream.indirect_vreg.gather @!p0 [hbm4b:s1+s18], $0x80, v7, vm1, $0xb8;
	[tilespmem:$0x16800] =	vst v63  }
0x16f: {  	s14 =	simm.s32 @!p0 $0x9000  }
0x170: {  	[tilespmem:s14], [sflag:$0x2] =	stream.indirect_vreg.gather @!p0 [hbm4b:s1+s18], $0x80, v3, vm1, $0xb8;
	[tilespmem:$0x16800] =	vst v63  }
0x171: {  	v3 =	vld @!p0 [tilespmem:s0+$0x130];
	_ =	sdelay $0x4  }
0x172: {  	v7 =	vshll.u32 @!p0 v3, $0x1  }
0x173: {  	v3 =	vand.u32 @!p0 $0x7, v3;
	v7 =	vand.u32 @!p0 $0xFFFFFFF0, v7  }
0x174: {  	v3 =	vor.u32 @!p0 v3, v7  }
0x175: {  	v4 =	vperm.xlane @!p0 v3, v4;
	_ =	sdelay $0x1  }
0x176: {  	v3 =	vperm.xlane @!p0 v3, v5;
	v4 =	vadd.s32 @!p0 v6, v4;
	_ =	sdelay $0x1  }
0x177: {  	v3 =	vadd.s32 @!p0 v6, v3;
	_ =	sdelay $0x1  }
0x178: {  	s14 =	simm.s32 @!p0 $0x9800  }
0x179: {  	[tilespmem:s14], [sflag:$0x2] =	stream.indirect_vreg.gather @!p0 [hbm4b:s1+s18], $0x80, v4, vm1, $0xb8;
	[tilespmem:$0x16800] =	vst v63  }
0x17a: {  	s14 =	simm.s32 @!p0 $0xA000  }
0x17b: {  	[tilespmem:s14], [sflag:$0x2] =	stream.indirect_vreg.gather @!p0 [hbm4b:s1+s18], $0x80, v3, vm1, $0xb8;
	[tilespmem:$0x16800] =	vst v63  }
.Ltmp2:
0x17c: {  	_ = 	snop;
	(pc) =	sbr.rel @p0 .LBB2_4-.Ltmp2, $4  }
0x17d: {  	_ =	swait.ge [sflag:s31], $0x4000  }
0x17e: {  	[sflag:s31] =	ssyncset.done $0x0  }
0x17f: {  	s18 =	sadd.s32 s11, s7;
	[sflag:s31] =	ssyncadd.s32 $0xFFFFC000  }
0x180: {  	[hbm4b:s18+s3] =	stream.linear.scatter [tilespmem:s23], [sflag:$0xA], $0x4000, $0x38;
	[tilespmem:$0x16800] =	vst v63  }
0x181: {  	_ =	swait.ge [sflag:s2], $0x4000  }
0x182: {  	[sflag:s2] =	ssyncset.done $0x0  }
0x183: {  	[sflag:s2] =	ssyncadd.s32 $0xFFFFC000  }
0x184: {  	v3 =	vld [tilespmem:s0+$0x180];
	_ =	sdelay $0x4  }
0x185: {  	v4 =	vshll.u32 v3, $0x1  }
0x186: {  	v3 =	vand.u32 $0x7, v3;
	v4 =	vand.u32 $0xFFFFFFF0, v4  }
0x187: {  	v3 =	vor.u32 v3, v4  }
0x188: {  	v4 =	vperm.xlane v3, v0;
	_ =	sdelay $0x1  }
0x189: {  	v3 =	vperm.xlane v3, v2;
	v4 =	vadd.s32 v1, v4;
	_ =	sdelay $0x1  }
0x18a: {  	v3 =	vadd.s32 v1, v3;
	_ =	sdelay $0x2  }
0x18b: {  	[tilespmem:s26], [sflag:$0x3] =	stream.indirect_vreg.gather [hbm4b:s1+s3], $0x80, v4, vm0, $0xb8;
	[tilespmem:$0x16800] =	vst v63  }
0x18c: {  	s14 =	simm.s32 $0xB000  }
0x18d: {  	[tilespmem:s14], [sflag:$0x3] =	stream.indirect_vreg.gather [hbm4b:s1+s3], $0x80, v3, vm0, $0xb8;
	[tilespmem:$0x16800] =	vst v63  }
0x18e: {  	v3 =	vld [tilespmem:s0+$0x190];
	_ =	sdelay $0x4  }
0x18f: {  	v61 =	vshll.u32 v3, $0x1  }
0x190: {  	v3 =	vand.u32 $0x7, v3;
	v4 =	vand.u32 $0xFFFFFFF0, v61  }
0x191: {  	v3 =	vor.u32 v3, v4  }
0x192: {  	v4 =	vperm.xlane v3, v0;
	_ =	sdelay $0x1  }
0x193: {  	v3 =	vperm.xlane v3, v2;
	v4 =	vadd.s32 v1, v4;
	_ =	sdelay $0x1  }
0x194: {  	v3 =	vadd.s32 v1, v3;
	_ =	sdelay $0x1  }
0x195: {  	s18 =	simm.s32 $0xB800  }
0x196: {  	[tilespmem:s18], [sflag:$0x3] =	stream.indirect_vreg.gather [hbm4b:s1+s3], $0x80, v4, vm0, $0xb8;
	[tilespmem:$0x16800] =	vst v63  }
0x197: {  	s18 =	simm.s32 $0xC000  }
0x198: {  	[tilespmem:s18], [sflag:$0x3] =	stream.indirect_vreg.gather [hbm4b:s1+s3], $0x80, v3, vm0, $0xb8;
	[tilespmem:$0x16800] =	vst v63  }
0x199: {  	v3 =	vld [tilespmem:s0+$0x1A0];
	_ =	sdelay $0x4  }
0x19a: {  	v62 =	vshll.u32 v3, $0x1  }
0x19b: {  	v3 =	vand.u32 $0x7, v3;
	v4 =	vand.u32 $0xFFFFFFF0, v62  }
0x19c: {  	v3 =	vor.u32 v3, v4  }
0x19d: {  	v4 =	vperm.xlane v3, v0;
	_ =	sdelay $0x1  }
0x19e: {  	v3 =	vperm.xlane v3, v2;
	v4 =	vadd.s32 v1, v4;
	_ =	sdelay $0x1  }
0x19f: {  	v3 =	vadd.s32 v1, v3;
	_ =	sdelay $0x1  }
0x1a0: {  	s18 =	simm.s32 $0xC800  }
0x1a1: {  	[tilespmem:s18], [sflag:$0x3] =	stream.indirect_vreg.gather [hbm4b:s1+s3], $0x80, v4, vm0, $0xb8;
	[tilespmem:$0x16800] =	vst v63  }
0x1a2: {  	s18 =	simm.s32 $0xD000  }
0x1a3: {  	[tilespmem:s18], [sflag:$0x3] =	stream.indirect_vreg.gather [hbm4b:s1+s3], $0x80, v3, vm0, $0xb8;
	[tilespmem:$0x16800] =	vst v63  }
0x1a4: {  	v3 =	vld [tilespmem:s0+$0x1B0];
	_ =	sdelay $0x4  }
0x1a5: {  	v63 =	vshll.u32 v3, $0x1  }
0x1a6: {  	v3 =	vand.u32 $0x7, v3;
	v4 =	vand.u32 $0xFFFFFFF0, v63  }
0x1a7: {  	v3 =	vor.u32 v3, v4  }
0x1a8: {  	v4 =	vperm.xlane v3, v0;
	_ =	sdelay $0x1  }
0x1a9: {  	v3 =	vperm.xlane v3, v2;
	v4 =	vadd.s32 v1, v4;
	_ =	sdelay $0x1  }
0x1aa: {  	v3 =	vadd.s32 v1, v3  }
.Ltmp3:
0x1ab: {  	_ = 	snop;
	(pc) =	sbr.rel .LBB2_2-.Ltmp3, $4  }
0x1ac: {  	s18 =	simm.s32 $0xD800  }
0x1ad: {  	[tilespmem:s18], [sflag:$0x3] =	stream.indirect_vreg.gather [hbm4b:s1+s3], $0x80, v4, vm0, $0xb8;
	[tilespmem:$0x16800] =	vst v63  }
0x1ae: {  	s11 =	sadd.s32 $0x2800, s11;
	s0 =	sadd.s32 $0x280, s0;
	s18 =	simm.s32 $0xE000  }
0x1af: {  	[tilespmem:s18], [sflag:$0x3] =	stream.indirect_vreg.gather [hbm4b:s1+s3], $0x80, v3, vm0, $0xb8;
	[tilespmem:$0x16800] =	vst v63  }
.LBB2_5:
0x1b0: {  	_ =	sfence.sel $0x180000  }
0x1b1: {  	[bflag:$0x0] =	sbarrier.arrive $0xFFFF  }
0x1b2: {  	_ =	strace $0x90000047  }
0x1b3: {  	s0 =	stileid.u32;
	[bflag:$0x2] =	sbarrier.arrive $0xFFFF  }
0x1b4: {  	p0 =	sne.s32 s0, $0x0;
	s0 =	rddreg [dreg:$0x3]  }
0x1b5: {  	s0 =	sadd.s32 @!p0 $0x100000, s0  }
0x1b6: {  	[sflag:s0] =	ssyncadd.tile.s32 @!p0 $0x1;
	_ =	shalt  }
.Lfunc_end2:
_tile_overlayer_lowered:
.L_overlay_start_2:
0x1b7: {  	(tag) =	ssettag $0x2  }
0x1b8: {  	s0 =	rddreg [dreg:$0x0];
	s2 =	stileid.u32  }
0x1b9: {  	s1 =	rddreg [dreg:$0x1];
	p0 =	sne.s32 s2, $0x0  }
0x1ba: {  	s3 =	rddreg [dreg:$0x2];
	[bflag:$0x3] =	sbarrier.arrive $0xFFFF;
	s2 =	simm.s32 @!p0 $0x1C0B  }
0x1bb: {  	[timem:s3], [sflag:s2] =	dma.local @!p0 [hbm:s0], s1  }
0x1bc: {  	s0 =	simm.s32 @!p0 $0xB  }
0x1bd: {  	_ =	swait.ge @!p0 [sflag:s0], s1  }
0x1be: {  	s1 =	ssub.s32 @!p0 $0x0, s1;
	[sflag:s0] =	ssyncset.done @!p0 $0x0  }
0x1bf: {  	[sflag:s0] =	ssyncadd.s32 @!p0 s1  }
0x1c0: {  	[bflag:$0x3] =	sbarrier.arrive $0xFFFF  }
0x1c1: {  	_ =	shalt  }

</sc_bundles>
